<compile_context>
chip_gen: v7x
topology: tpu7x:2x2x1
jax: 0.10.2.dev20260603
libtpu: 0.0.44.dev20260713+nightly
codegen_flags: <defaults>
</compile_context>

<pallas_src>
import functools

import jax
import jax.numpy as jnp
from jax import lax
from jax.experimental import pallas as pl
from jax.experimental.pallas import tpu as pltpu
from jax.experimental.pallas import tpu_sc as plsc

B = 4096
L = 200
D = 64
NW = 32
BPW = B // NW
LG = D // 16
LH = L // 2


NBUF = 4


def _sc_body(text_hbm, len_hbm, table_hbm, embs_hbm, seq_hbm,
             idx_all, seq_acc, lens_v, *bufs_and_sems):
    rows_bufs = bufs_and_sems[:NBUF]
    gsems = bufs_and_sems[NBUF:2 * NBUF]
    osems = bufs_and_sems[2 * NBUF:3 * NBUF]
    c = lax.axis_index("c")
    s = lax.axis_index("s")
    wid = s * 2 + c
    base = wid * BPW

    pltpu.sync_copy(text_hbm.at[pl.ds(base, BPW)], idx_all)
    pltpu.sync_copy(len_hbm.at[pl.ds(base, BPW)], lens_v.at[pl.ds(0, BPW)])

    def start_gather(r, b):
        pltpu.async_copy(table_hbm.at[idx_all.at[r, pl.ds(0, 128)]],
                         rows_bufs[b].at[pl.ds(0, 128)], gsems[b])
        pltpu.async_copy(table_hbm.at[idx_all.at[r, pl.ds(128, 72)]],
                         rows_bufs[b].at[pl.ds(128, 72)], gsems[b])

    def drain_gather(r, b):
        pltpu.make_async_copy(table_hbm.at[idx_all.at[r, pl.ds(0, 128)]],
                              rows_bufs[b].at[pl.ds(0, 128)], gsems[b]).wait()
        pltpu.make_async_copy(table_hbm.at[idx_all.at[r, pl.ds(128, 72)]],
                              rows_bufs[b].at[pl.ds(128, 72)], gsems[b]).wait()

    for b in range(NBUF):
        start_gather(b, b)

    def outer(g, carry):
        r0 = g * NBUF
        for b in range(NBUF):
            r = r0 + b
            drain_gather(r, b)
            out_cp = pltpu.make_async_copy(
                rows_bufs[b], embs_hbm.at[base + r], osems[b])
            out_cp.start()

            ln = lens_v[pl.ds(r, 16)][0]

            def acc_body(i, acc, _b=b):
                return tuple(acc[q] + rows_bufs[_b][i, pl.ds(q * 16, 16)]
                             for q in range(LG))

            acc = lax.fori_loop(
                0, ln, acc_body,
                tuple(jnp.zeros((16,), jnp.float32) for _ in range(LG)))
            lf_v = jnp.full((16,), ln.astype(jnp.float32))
            for q in range(LG):
                seq_acc[r, pl.ds(q * 16, 16)] = acc[q] / lf_v

            out_cp.wait()

            @pl.when(r + NBUF < BPW)
            def _():
                start_gather(r + NBUF, b)
        return carry

    lax.fori_loop(0, BPW // NBUF, outer, 0)
    pltpu.sync_copy(seq_acc, seq_hbm.at[pl.ds(base, BPW)])


@functools.partial(jax.jit, static_argnames=())
def _run(text_r, text_len, table):
    mesh = plsc.VectorSubcoreMesh(core_axis_name="c", subcore_axis_name="s")
    k = pl.kernel(
        _sc_body,
        mesh=mesh,
        out_type=[
            jax.ShapeDtypeStruct((B, L, D), jnp.float32),
            jax.ShapeDtypeStruct((B, D), jnp.float32),
        ],
        scratch_types=(
            [
                pltpu.VMEM((BPW, L), jnp.int32),
                pltpu.VMEM((BPW, D), jnp.float32),
                pltpu.VMEM((BPW + 16,), jnp.int32),
            ]
            + [pltpu.VMEM((L, D), jnp.float32) for _ in range(NBUF)]
            + [pltpu.SemaphoreType.DMA for _ in range(2 * NBUF)]
        ),
        compiler_params=pltpu.CompilerParams(use_tc_tiling_on_sc=False),
    )
    return k(text_r, text_len, table)


def kernel(text, text_len, table):
    embs, seq = _run(text.astype(jnp.int32), text_len.astype(jnp.int32), table)
    return embs, seq

# --- scband reference (transcript-rebuilt; emitter-appended) ---
"""Pipeline reference for scband-embedding-agg-23398981829186 (READ-ONLY COPY).

The authoritative reference and input builder live on the scoring server;
editing this copy changes nothing except your own understanding.
"""

import jax, jax.numpy as jnp
import numpy as np

VOCAB = 1000000
EMBED_DIM = 64
BATCH = 4096
SEQ = 200

def setup_inputs(seed: int = 0) -> dict:
    key = jax.random.key(seed)
    k_tok, k_len, k_tab = jax.random.split(key, 3)
    text = jax.random.randint(k_tok, (BATCH, SEQ), 0, VOCAB, dtype=jnp.int64) if jax.config.jax_enable_x64 else jax.random.randint(k_tok, (BATCH, SEQ), 0, VOCAB, dtype=jnp.int32)
    # lengths in [1, SEQ] to avoid divide-by-zero in masked mean
    text_len = jax.random.randint(k_len, (BATCH,), 1, SEQ + 1, dtype=text.dtype)
    # embedding table (learned parameter), normal init as in nn.Embedding
    table = jax.random.normal(k_tab, (VOCAB, EMBED_DIM), dtype=jnp.float32) * 0.02
    return {"text": text, "text_len": text_len, "table": table}

def reference(text, text_len, table):
    # EmbeddingLayer: gather
    embs = jnp.take(table, text, axis=0)  # [B, L, D]
    # mean_with_lens: masked mean over sequence dim
    lens = text_len.astype(jnp.float32)
    pos = jnp.arange(embs.shape[1])[None, :]  # [1, L]
    mask = (pos < text_len[:, None]).astype(embs.dtype)  # [B, L]
    summed = jnp.sum(embs * mask[:, :, None], axis=1)  # [B, D]
    seq_emb = summed / lens[:, None]
    # forward returns {'token_emb': embs, 'seq_emb': out}
    return (embs, seq_emb)

if __name__ == "__main__":
    import jax
    _d = setup_inputs()
    print(jax.jit(kernel)(*tuple(_d.values())))

</pallas_src>

<mosaic_0001>
#map = affine_map<(d0, d1) -> (0, 0)>
#map1 = affine_map<(d0, d1) -> (0)>
#map2 = affine_map<(d0, d1) -> (0, 0, 0)>
module attributes {stable_mosaic.version = 14 : i64} {
  func.func @_sc_body(%arg0: i32, %arg1: i32, %arg2: memref<4096x200xi32, #tpu.memory_space<hbm>>, %arg3: memref<4096xi32, #tpu.memory_space<hbm>>, %arg4: memref<1000000x64xf32, #tpu.memory_space<hbm>>, %arg5: memref<4096x200x64xf32, #tpu.memory_space<hbm>>, %arg6: memref<4096x64xf32, #tpu.memory_space<hbm>>, %arg7: memref<128x200xi32, #tpu.memory_space<vmem>>, %arg8: memref<128x64xf32, #tpu.memory_space<vmem>>, %arg9: memref<144xi32, #tpu.memory_space<vmem>>, %arg10: memref<200x64xf32, #tpu.memory_space<vmem>>, %arg11: memref<200x64xf32, #tpu.memory_space<vmem>>, %arg12: memref<200x64xf32, #tpu.memory_space<vmem>>, %arg13: memref<200x64xf32, #tpu.memory_space<vmem>>, %arg14: memref<!tpu.dma_semaphore, #tpu.memory_space<semaphore_mem>>, %arg15: memref<!tpu.dma_semaphore, #tpu.memory_space<semaphore_mem>>, %arg16: memref<!tpu.dma_semaphore, #tpu.memory_space<semaphore_mem>>, %arg17: memref<!tpu.dma_semaphore, #tpu.memory_space<semaphore_mem>>, %arg18: memref<!tpu.dma_semaphore, #tpu.memory_space<semaphore_mem>>, %arg19: memref<!tpu.dma_semaphore, #tpu.memory_space<semaphore_mem>>, %arg20: memref<!tpu.dma_semaphore, #tpu.memory_space<semaphore_mem>>, %arg21: memref<!tpu.dma_semaphore, #tpu.memory_space<semaphore_mem>>) attributes {dimension_semantics = [#tpu.dimension_semantics<core_parallel>, #tpu.dimension_semantics<subcore_parallel>], iteration_bounds = array<i64: 2, 16>, scalar_prefetch = 0 : i64, scratch_operands = 15 : i64, tpu.core_type = #tpu.core_type<sc_vector_subcore>, window_params = [{transform_indices = #map}, {transform_indices = #map1}, {transform_indices = #map}, {transform_indices = #map2}, {transform_indices = #map}]} {
    %mul3A = arith.constant 2 : i32
    %mul3A_0 = arith.muli %arg1, %mul3A : i32
    %add3A = arith.addi %mul3A_0, %arg0 : i32
    %mul3A_1 = arith.constant 128 : i32
    %mul3A_2 = arith.muli %add3A, %mul3A_1 : i32
    "tpu.region"() ({
      %run_scoped3A = tpu.sem_alloc : memref<!tpu.dma_semaphore, #tpu.memory_space<semaphore_mem>>
      %dma_start3A_87 = arith.constant 0 : i32
      %dma_start3A_88 = tpu.memref_slice %arg2[%mul3A_2, %dma_start3A_87] : memref<4096x200xi32, #tpu.memory_space<hbm>> -> memref<128x200xi32, #tpu.memory_space<hbm>>
      %dma_start3A_89 = arith.constant 0 : i32
      %dma_start3A_90 = tpu.memref_slice %arg2[%mul3A_2, %dma_start3A_89] : memref<4096x200xi32, #tpu.memory_space<hbm>> -> memref<128x200xi32, #tpu.memory_space<hbm>>
      tpu.enqueue_dma source(%dma_start3A_90 : memref<128x200xi32, #tpu.memory_space<hbm>>) target(%arg7 : memref<128x200xi32, #tpu.memory_space<vmem>>) target_semaphore(%run_scoped3A : memref<!tpu.dma_semaphore, #tpu.memory_space<semaphore_mem>>)
      %dma_wait3A = arith.constant 0 : i32
      %dma_wait3A_91 = tpu.memref_slice %arg2[%mul3A_2, %dma_wait3A] : memref<4096x200xi32, #tpu.memory_space<hbm>> -> memref<128x200xi32, #tpu.memory_space<hbm>>
      %dma_wait3A_92 = arith.constant 0 : i32
      %dma_wait3A_93 = tpu.memref_slice %arg2[%mul3A_2, %dma_wait3A_92] : memref<4096x200xi32, #tpu.memory_space<hbm>> -> memref<128x200xi32, #tpu.memory_space<hbm>>
      tpu.wait_dma2 semaphore(%run_scoped3A : memref<!tpu.dma_semaphore, #tpu.memory_space<semaphore_mem>>) src(%dma_wait3A_93 : memref<128x200xi32, #tpu.memory_space<hbm>>) dst(%arg7 : memref<128x200xi32, #tpu.memory_space<vmem>>)
      tpu.yield
    }) : () -> ()
    "tpu.region"() ({
      %run_scoped3A = tpu.sem_alloc : memref<!tpu.dma_semaphore, #tpu.memory_space<semaphore_mem>>
      %dma_start3A_87 = arith.constant 0 : i32
      %dma_start3A_88 = tpu.memref_slice %arg9[%dma_start3A_87] : memref<144xi32, #tpu.memory_space<vmem>> -> memref<128xi32, #tpu.memory_space<vmem>>
      %dma_start3A_89 = tpu.memref_slice %arg3[%mul3A_2] : memref<4096xi32, #tpu.memory_space<hbm>> -> memref<128xi32, #tpu.memory_space<hbm>>
      %dma_start3A_90 = arith.constant 0 : i32
      %dma_start3A_91 = tpu.memref_slice %arg9[%dma_start3A_90] : memref<144xi32, #tpu.memory_space<vmem>> -> memref<128xi32, #tpu.memory_space<vmem>>
      %dma_start3A_92 = tpu.memref_slice %arg3[%mul3A_2] : memref<4096xi32, #tpu.memory_space<hbm>> -> memref<128xi32, #tpu.memory_space<hbm>>
      tpu.enqueue_dma source(%dma_start3A_92 : memref<128xi32, #tpu.memory_space<hbm>>) target(%dma_start3A_91 : memref<128xi32, #tpu.memory_space<vmem>>) target_semaphore(%run_scoped3A : memref<!tpu.dma_semaphore, #tpu.memory_space<semaphore_mem>>)
      %dma_wait3A = arith.constant 0 : i32
      %dma_wait3A_93 = tpu.memref_slice %arg9[%dma_wait3A] : memref<144xi32, #tpu.memory_space<vmem>> -> memref<128xi32, #tpu.memory_space<vmem>>
      %dma_wait3A_94 = tpu.memref_slice %arg3[%mul3A_2] : memref<4096xi32, #tpu.memory_space<hbm>> -> memref<128xi32, #tpu.memory_space<hbm>>
      %dma_wait3A_95 = arith.constant 0 : i32
      %dma_wait3A_96 = tpu.memref_slice %arg9[%dma_wait3A_95] : memref<144xi32, #tpu.memory_space<vmem>> -> memref<128xi32, #tpu.memory_space<vmem>>
      %dma_wait3A_97 = tpu.memref_slice %arg3[%mul3A_2] : memref<4096xi32, #tpu.memory_space<hbm>> -> memref<128xi32, #tpu.memory_space<hbm>>
      tpu.wait_dma2 semaphore(%run_scoped3A : memref<!tpu.dma_semaphore, #tpu.memory_space<semaphore_mem>>) src(%dma_wait3A_97 : memref<128xi32, #tpu.memory_space<hbm>>) dst(%dma_wait3A_96 : memref<128xi32, #tpu.memory_space<vmem>>)
      tpu.yield
    }) : () -> ()
    %dma_start3A = arith.constant 0 : i32
    %dma_start3A_3 = arith.constant 0 : i32
    %dma_start3A_4 = arith.constant 0 : i32
    %dma_start3A_5 = tpu.memref_slice %arg10[%dma_start3A_3, %dma_start3A_4] : memref<200x64xf32, #tpu.memory_space<vmem>> -> memref<128x64xf32, #tpu.memory_space<vmem>>
    %dma_start3A_6 = arith.constant 0 : i32
    %dma_start3A_7 = tpu.memref_slice %arg7[%dma_start3A, %dma_start3A_6] : memref<128x200xi32, #tpu.memory_space<vmem>> -> memref<1x128xi32, #tpu.memory_space<vmem>>
    %dma_start3A_8 = tpu.memref_squeeze %dma_start3A_7 : memref<1x128xi32, #tpu.memory_space<vmem>> -> memref<128xi32, #tpu.memory_space<vmem>>
    %dma_start3A_9 = arith.constant 0 : i32
    %dma_start3A_10 = arith.constant 0 : i32
    %dma_start3A_11 = tpu.memref_slice %arg4[%dma_start3A_9, %dma_start3A_10] : memref<1000000x64xf32, #tpu.memory_space<hbm>> -> memref<1000000x64xf32, #tpu.memory_space<hbm>>
    tpu.enqueue_indirect_dma source(%dma_start3A_11 : memref<1000000x64xf32, #tpu.memory_space<hbm>>) target(%dma_start3A_5 : memref<128x64xf32, #tpu.memory_space<vmem>>) offsets(%dma_start3A_8 : memref<128xi32, #tpu.memory_space<vmem>>) semaphore(%arg14 : memref<!tpu.dma_semaphore, #tpu.memory_space<semaphore_mem>>)
    %dma_start3A_12 = arith.constant 0 : i32
    %dma_start3A_13 = arith.constant 128 : i32
    %dma_start3A_14 = arith.constant 0 : i32
    %dma_start3A_15 = tpu.memref_slice %arg10[%dma_start3A_13, %dma_start3A_14] : memref<200x64xf32, #tpu.memory_space<vmem>> -> memref<72x64xf32, #tpu.memory_space<vmem>>
    %dma_start3A_16 = arith.constant 128 : i32
    %dma_start3A_17 = tpu.memref_slice %arg7[%dma_start3A_12, %dma_start3A_16] : memref<128x200xi32, #tpu.memory_space<vmem>> -> memref<1x72xi32, #tpu.memory_space<vmem>>
    %dma_start3A_18 = tpu.memref_squeeze %dma_start3A_17 : memref<1x72xi32, #tpu.memory_space<vmem>> -> memref<72xi32, #tpu.memory_space<vmem>>
    %dma_start3A_19 = arith.constant 0 : i32
    %dma_start3A_20 = arith.constant 0 : i32
    %dma_start3A_21 = tpu.memref_slice %arg4[%dma_start3A_19, %dma_start3A_20] : memref<1000000x64xf32, #tpu.memory_space<hbm>> -> memref<1000000x64xf32, #tpu.memory_space<hbm>>
    tpu.enqueue_indirect_dma source(%dma_start3A_21 : memref<1000000x64xf32, #tpu.memory_space<hbm>>) target(%dma_start3A_15 : memref<72x64xf32, #tpu.memory_space<vmem>>) offsets(%dma_start3A_18 : memref<72xi32, #tpu.memory_space<vmem>>) semaphore(%arg14 : memref<!tpu.dma_semaphore, #tpu.memory_space<semaphore_mem>>)
    %dma_start3A_22 = arith.constant 1 : i32
    %dma_start3A_23 = arith.constant 0 : i32
    %dma_start3A_24 = arith.constant 0 : i32
    %dma_start3A_25 = tpu.memref_slice %arg11[%dma_start3A_23, %dma_start3A_24] : memref<200x64xf32, #tpu.memory_space<vmem>> -> memref<128x64xf32, #tpu.memory_space<vmem>>
    %dma_start3A_26 = arith.constant 0 : i32
    %dma_start3A_27 = tpu.memref_slice %arg7[%dma_start3A_22, %dma_start3A_26] : memref<128x200xi32, #tpu.memory_space<vmem>> -> memref<1x128xi32, #tpu.memory_space<vmem>>
    %dma_start3A_28 = tpu.memref_squeeze %dma_start3A_27 : memref<1x128xi32, #tpu.memory_space<vmem>> -> memref<128xi32, #tpu.memory_space<vmem>>
    %dma_start3A_29 = arith.constant 0 : i32
    %dma_start3A_30 = arith.constant 0 : i32
    %dma_start3A_31 = tpu.memref_slice %arg4[%dma_start3A_29, %dma_start3A_30] : memref<1000000x64xf32, #tpu.memory_space<hbm>> -> memref<1000000x64xf32, #tpu.memory_space<hbm>>
    tpu.enqueue_indirect_dma source(%dma_start3A_31 : memref<1000000x64xf32, #tpu.memory_space<hbm>>) target(%dma_start3A_25 : memref<128x64xf32, #tpu.memory_space<vmem>>) offsets(%dma_start3A_28 : memref<128xi32, #tpu.memory_space<vmem>>) semaphore(%arg15 : memref<!tpu.dma_semaphore, #tpu.memory_space<semaphore_mem>>)
    %dma_start3A_32 = arith.constant 1 : i32
    %dma_start3A_33 = arith.constant 128 : i32
    %dma_start3A_34 = arith.constant 0 : i32
    %dma_start3A_35 = tpu.memref_slice %arg11[%dma_start3A_33, %dma_start3A_34] : memref<200x64xf32, #tpu.memory_space<vmem>> -> memref<72x64xf32, #tpu.memory_space<vmem>>
    %dma_start3A_36 = arith.constant 128 : i32
    %dma_start3A_37 = tpu.memref_slice %arg7[%dma_start3A_32, %dma_start3A_36] : memref<128x200xi32, #tpu.memory_space<vmem>> -> memref<1x72xi32, #tpu.memory_space<vmem>>
    %dma_start3A_38 = tpu.memref_squeeze %dma_start3A_37 : memref<1x72xi32, #tpu.memory_space<vmem>> -> memref<72xi32, #tpu.memory_space<vmem>>
    %dma_start3A_39 = arith.constant 0 : i32
    %dma_start3A_40 = arith.constant 0 : i32
    %dma_start3A_41 = tpu.memref_slice %arg4[%dma_start3A_39, %dma_start3A_40] : memref<1000000x64xf32, #tpu.memory_space<hbm>> -> memref<1000000x64xf32, #tpu.memory_space<hbm>>
    tpu.enqueue_indirect_dma source(%dma_start3A_41 : memref<1000000x64xf32, #tpu.memory_space<hbm>>) target(%dma_start3A_35 : memref<72x64xf32, #tpu.memory_space<vmem>>) offsets(%dma_start3A_38 : memref<72xi32, #tpu.memory_space<vmem>>) semaphore(%arg15 : memref<!tpu.dma_semaphore, #tpu.memory_space<semaphore_mem>>)
    %dma_start3A_42 = arith.constant 2 : i32
    %dma_start3A_43 = arith.constant 0 : i32
    %dma_start3A_44 = arith.constant 0 : i32
    %dma_start3A_45 = tpu.memref_slice %arg12[%dma_start3A_43, %dma_start3A_44] : memref<200x64xf32, #tpu.memory_space<vmem>> -> memref<128x64xf32, #tpu.memory_space<vmem>>
    %dma_start3A_46 = arith.constant 0 : i32
    %dma_start3A_47 = tpu.memref_slice %arg7[%dma_start3A_42, %dma_start3A_46] : memref<128x200xi32, #tpu.memory_space<vmem>> -> memref<1x128xi32, #tpu.memory_space<vmem>>
    %dma_start3A_48 = tpu.memref_squeeze %dma_start3A_47 : memref<1x128xi32, #tpu.memory_space<vmem>> -> memref<128xi32, #tpu.memory_space<vmem>>
    %dma_start3A_49 = arith.constant 0 : i32
    %dma_start3A_50 = arith.constant 0 : i32
    %dma_start3A_51 = tpu.memref_slice %arg4[%dma_start3A_49, %dma_start3A_50] : memref<1000000x64xf32, #tpu.memory_space<hbm>> -> memref<1000000x64xf32, #tpu.memory_space<hbm>>
    tpu.enqueue_indirect_dma source(%dma_start3A_51 : memref<1000000x64xf32, #tpu.memory_space<hbm>>) target(%dma_start3A_45 : memref<128x64xf32, #tpu.memory_space<vmem>>) offsets(%dma_start3A_48 : memref<128xi32, #tpu.memory_space<vmem>>) semaphore(%arg16 : memref<!tpu.dma_semaphore, #tpu.memory_space<semaphore_mem>>)
    %dma_start3A_52 = arith.constant 2 : i32
    %dma_start3A_53 = arith.constant 128 : i32
    %dma_start3A_54 = arith.constant 0 : i32
    %dma_start3A_55 = tpu.memref_slice %arg12[%dma_start3A_53, %dma_start3A_54] : memref<200x64xf32, #tpu.memory_space<vmem>> -> memref<72x64xf32, #tpu.memory_space<vmem>>
    %dma_start3A_56 = arith.constant 128 : i32
    %dma_start3A_57 = tpu.memref_slice %arg7[%dma_start3A_52, %dma_start3A_56] : memref<128x200xi32, #tpu.memory_space<vmem>> -> memref<1x72xi32, #tpu.memory_space<vmem>>
    %dma_start3A_58 = tpu.memref_squeeze %dma_start3A_57 : memref<1x72xi32, #tpu.memory_space<vmem>> -> memref<72xi32, #tpu.memory_space<vmem>>
    %dma_start3A_59 = arith.constant 0 : i32
    %dma_start3A_60 = arith.constant 0 : i32
    %dma_start3A_61 = tpu.memref_slice %arg4[%dma_start3A_59, %dma_start3A_60] : memref<1000000x64xf32, #tpu.memory_space<hbm>> -> memref<1000000x64xf32, #tpu.memory_space<hbm>>
    tpu.enqueue_indirect_dma source(%dma_start3A_61 : memref<1000000x64xf32, #tpu.memory_space<hbm>>) target(%dma_start3A_55 : memref<72x64xf32, #tpu.memory_space<vmem>>) offsets(%dma_start3A_58 : memref<72xi32, #tpu.memory_space<vmem>>) semaphore(%arg16 : memref<!tpu.dma_semaphore, #tpu.memory_space<semaphore_mem>>)
    %dma_start3A_62 = arith.constant 3 : i32
    %dma_start3A_63 = arith.constant 0 : i32
    %dma_start3A_64 = arith.constant 0 : i32
    %dma_start3A_65 = tpu.memref_slice %arg13[%dma_start3A_63, %dma_start3A_64] : memref<200x64xf32, #tpu.memory_space<vmem>> -> memref<128x64xf32, #tpu.memory_space<vmem>>
    %dma_start3A_66 = arith.constant 0 : i32
    %dma_start3A_67 = tpu.memref_slice %arg7[%dma_start3A_62, %dma_start3A_66] : memref<128x200xi32, #tpu.memory_space<vmem>> -> memref<1x128xi32, #tpu.memory_space<vmem>>
    %dma_start3A_68 = tpu.memref_squeeze %dma_start3A_67 : memref<1x128xi32, #tpu.memory_space<vmem>> -> memref<128xi32, #tpu.memory_space<vmem>>
    %dma_start3A_69 = arith.constant 0 : i32
    %dma_start3A_70 = arith.constant 0 : i32
    %dma_start3A_71 = tpu.memref_slice %arg4[%dma_start3A_69, %dma_start3A_70] : memref<1000000x64xf32, #tpu.memory_space<hbm>> -> memref<1000000x64xf32, #tpu.memory_space<hbm>>
    tpu.enqueue_indirect_dma source(%dma_start3A_71 : memref<1000000x64xf32, #tpu.memory_space<hbm>>) target(%dma_start3A_65 : memref<128x64xf32, #tpu.memory_space<vmem>>) offsets(%dma_start3A_68 : memref<128xi32, #tpu.memory_space<vmem>>) semaphore(%arg17 : memref<!tpu.dma_semaphore, #tpu.memory_space<semaphore_mem>>)
    %dma_start3A_72 = arith.constant 3 : i32
    %dma_start3A_73 = arith.constant 128 : i32
    %dma_start3A_74 = arith.constant 0 : i32
    %dma_start3A_75 = tpu.memref_slice %arg13[%dma_start3A_73, %dma_start3A_74] : memref<200x64xf32, #tpu.memory_space<vmem>> -> memref<72x64xf32, #tpu.memory_space<vmem>>
    %dma_start3A_76 = arith.constant 128 : i32
    %dma_start3A_77 = tpu.memref_slice %arg7[%dma_start3A_72, %dma_start3A_76] : memref<128x200xi32, #tpu.memory_space<vmem>> -> memref<1x72xi32, #tpu.memory_space<vmem>>
    %dma_start3A_78 = tpu.memref_squeeze %dma_start3A_77 : memref<1x72xi32, #tpu.memory_space<vmem>> -> memref<72xi32, #tpu.memory_space<vmem>>
    %dma_start3A_79 = arith.constant 0 : i32
    %dma_start3A_80 = arith.constant 0 : i32
    %dma_start3A_81 = tpu.memref_slice %arg4[%dma_start3A_79, %dma_start3A_80] : memref<1000000x64xf32, #tpu.memory_space<hbm>> -> memref<1000000x64xf32, #tpu.memory_space<hbm>>
    tpu.enqueue_indirect_dma source(%dma_start3A_81 : memref<1000000x64xf32, #tpu.memory_space<hbm>>) target(%dma_start3A_75 : memref<72x64xf32, #tpu.memory_space<vmem>>) offsets(%dma_start3A_78 : memref<72xi32, #tpu.memory_space<vmem>>) semaphore(%arg17 : memref<!tpu.dma_semaphore, #tpu.memory_space<semaphore_mem>>)
    %scan3A = arith.constant 0 : i32
    %scan3A_82 = arith.constant 0 : i32
    %scan3A_83 = arith.constant 32 : i32
    %scan3A_84 = arith.addi %scan3A_82, %scan3A_83 : i32
    %scan3A_85 = arith.constant 1 : i32
    scf.for %scan3A_87 = %scan3A_82 to %scan3A_84 step %scan3A_85  : i32 {
      %mul3A_88 = arith.constant 4 : i32
      %mul3A_89 = arith.muli %scan3A_87, %mul3A_88 : i32
      %add3A_90 = arith.constant 0 : i32
      %add3A_91 = arith.addi %mul3A_89, %add3A_90 : i32
      %dma_wait3A = arith.constant 0 : i32
      %dma_wait3A_92 = arith.constant 0 : i32
      %dma_wait3A_93 = tpu.memref_slice %arg10[%dma_wait3A, %dma_wait3A_92] : memref<200x64xf32, #tpu.memory_space<vmem>> -> memref<128x64xf32, #tpu.memory_space<vmem>>
      %dma_wait3A_94 = arith.constant 0 : i32
      %dma_wait3A_95 = tpu.memref_slice %arg7[%add3A_91, %dma_wait3A_94] : memref<128x200xi32, #tpu.memory_space<vmem>> -> memref<1x128xi32, #tpu.memory_space<vmem>>
      %dma_wait3A_96 = tpu.memref_squeeze %dma_wait3A_95 : memref<1x128xi32, #tpu.memory_space<vmem>> -> memref<128xi32, #tpu.memory_space<vmem>>
      %dma_wait3A_97 = arith.constant 0 : i32
      %dma_wait3A_98 = arith.constant 0 : i32
      %dma_wait3A_99 = tpu.memref_slice %arg4[%dma_wait3A_97, %dma_wait3A_98] : memref<1000000x64xf32, #tpu.memory_space<hbm>> -> memref<1000000x64xf32, #tpu.memory_space<hbm>>
      tpu.wait_indirect_dma semaphore(%arg14 : memref<!tpu.dma_semaphore, #tpu.memory_space<semaphore_mem>>) src(%dma_wait3A_99 : memref<1000000x64xf32, #tpu.memory_space<hbm>>) dst(%dma_wait3A_93 : memref<128x64xf32, #tpu.memory_space<vmem>>)
      %dma_wait3A_100 = arith.constant 128 : i32
      %dma_wait3A_101 = arith.constant 0 : i32
      %dma_wait3A_102 = tpu.memref_slice %arg10[%dma_wait3A_100, %dma_wait3A_101] : memref<200x64xf32, #tpu.memory_space<vmem>> -> memref<72x64xf32, #tpu.memory_space<vmem>>
      %dma_wait3A_103 = arith.constant 128 : i32
      %dma_wait3A_104 = tpu.memref_slice %arg7[%add3A_91, %dma_wait3A_103] : memref<128x200xi32, #tpu.memory_space<vmem>> -> memref<1x72xi32, #tpu.memory_space<vmem>>
      %dma_wait3A_105 = tpu.memref_squeeze %dma_wait3A_104 : memref<1x72xi32, #tpu.memory_space<vmem>> -> memref<72xi32, #tpu.memory_space<vmem>>
      %dma_wait3A_106 = arith.constant 0 : i32
      %dma_wait3A_107 = arith.constant 0 : i32
      %dma_wait3A_108 = tpu.memref_slice %arg4[%dma_wait3A_106, %dma_wait3A_107] : memref<1000000x64xf32, #tpu.memory_space<hbm>> -> memref<1000000x64xf32, #tpu.memory_space<hbm>>
      tpu.wait_indirect_dma semaphore(%arg14 : memref<!tpu.dma_semaphore, #tpu.memory_space<semaphore_mem>>) src(%dma_wait3A_108 : memref<1000000x64xf32, #tpu.memory_space<hbm>>) dst(%dma_wait3A_102 : memref<72x64xf32, #tpu.memory_space<vmem>>)
      %add3A_109 = arith.addi %mul3A_2, %add3A_91 : i32
      %dma_start3A_110 = arith.constant 0 : i32
      %dma_start3A_111 = arith.constant 0 : i32
      %dma_start3A_112 = tpu.memref_slice %arg5[%add3A_109, %dma_start3A_110, %dma_start3A_111] : memref<4096x200x64xf32, #tpu.memory_space<hbm>> -> memref<1x200x64xf32, #tpu.memory_space<hbm>>
      %dma_start3A_113 = tpu.memref_squeeze %dma_start3A_112 : memref<1x200x64xf32, #tpu.memory_space<hbm>> -> memref<200x64xf32, #tpu.memory_space<hbm>>
      %dma_start3A_114 = arith.constant 0 : i32
      %dma_start3A_115 = arith.constant 0 : i32
      %dma_start3A_116 = tpu.memref_slice %arg5[%add3A_109, %dma_start3A_114, %dma_start3A_115] : memref<4096x200x64xf32, #tpu.memory_space<hbm>> -> memref<1x200x64xf32, #tpu.memory_space<hbm>>
      %dma_start3A_117 = tpu.memref_squeeze %dma_start3A_116 : memref<1x200x64xf32, #tpu.memory_space<hbm>> -> memref<200x64xf32, #tpu.memory_space<hbm>>
      tpu.enqueue_dma source(%arg10 : memref<200x64xf32, #tpu.memory_space<vmem>>) target(%dma_start3A_117 : memref<200x64xf32, #tpu.memory_space<hbm>>) target_semaphore(%arg18 : memref<!tpu.dma_semaphore, #tpu.memory_space<semaphore_mem>>)
      %get3A = arith.index_cast %add3A_91 : i32 to index
      %get3A_118 = tpu.vector_load %arg9[%get3A] {strides = array<i32>} : memref<144xi32, #tpu.memory_space<vmem>>, vector<16xi32>,
      %get3A_119 = vector.shape_cast %get3A_118 : vector<16xi32> to vector<16xi32>
      %slice3A = vector.extract_strided_slice %get3A_119 {offsets = [0], sizes = [1], strides = [1]} : vector<16xi32> to vector<1xi32>
      %squeeze3A = vector.extract %slice3A[0] : i32 from vector<1xi32>
      %broadcast_in_dim3A = arith.constant 0.000000e+00 : f32
      %broadcast_in_dim3A_120 = vector.broadcast %broadcast_in_dim3A : f32 to vector<16xf32>
      %broadcast_in_dim3A_121 = arith.constant 0.000000e+00 : f32
      %broadcast_in_dim3A_122 = vector.broadcast %broadcast_in_dim3A_121 : f32 to vector<16xf32>
      %broadcast_in_dim3A_123 = arith.constant 0.000000e+00 : f32
      %broadcast_in_dim3A_124 = vector.broadcast %broadcast_in_dim3A_123 : f32 to vector<16xf32>
      %broadcast_in_dim3A_125 = arith.constant 0.000000e+00 : f32
      %broadcast_in_dim3A_126 = vector.broadcast %broadcast_in_dim3A_125 : f32 to vector<16xf32>
      %while3A = arith.constant 0 : i32
      %while3A_127 = arith.subi %squeeze3A, %while3A : i32
      %while3A_128 = arith.addi %while3A, %while3A_127 : i32
      %while3A_129 = arith.constant 1 : i32
      %while3A_130 = arith.divsi %while3A_127, %while3A_129 : i32
      %while3A_131 = arith.muli %while3A_130, %while3A_129 : i32
      %while3A_132 = arith.addi %while3A, %while3A_131 : i32
      %while3A_133 = arith.constant 1 : i32
      %while3A_134:4 = scf.for %while3A_455 = %while3A to %while3A_132 step %while3A_133 iter_args(%while3A_456 = %broadcast_in_dim3A_120, %while3A_457 = %broadcast_in_dim3A_122, %while3A_458 = %broadcast_in_dim3A_124, %while3A_459 = %broadcast_in_dim3A_126) -> (vector<16xf32>, vector<16xf32>, vector<16xf32>, vector<16xf32>)  : i32 {
        %get3A_460 = arith.index_cast %while3A_455 : i32 to index
        %get3A_461 = arith.constant 0 : index
        %get3A_462 = tpu.vector_load %arg10[%get3A_460, %get3A_461] {strides = array<i32>} : memref<200x64xf32, #tpu.memory_space<vmem>>, vector<1x16xf32>,
        %get3A_463 = vector.shape_cast %get3A_462 : vector<1x16xf32> to vector<16xf32>
        %add3A_464 = arith.addf %while3A_456, %get3A_463 : vector<16xf32>
        %get3A_465 = arith.index_cast %while3A_455 : i32 to index
        %get3A_466 = arith.constant 16 : index
        %get3A_467 = tpu.vector_load %arg10[%get3A_465, %get3A_466] {strides = array<i32>} : memref<200x64xf32, #tpu.memory_space<vmem>>, vector<1x16xf32>,
        %get3A_468 = vector.shape_cast %get3A_467 : vector<1x16xf32> to vector<16xf32>
        %add3A_469 = arith.addf %while3A_457, %get3A_468 : vector<16xf32>
        %get3A_470 = arith.index_cast %while3A_455 : i32 to index
        %get3A_471 = arith.constant 32 : index
        %get3A_472 = tpu.vector_load %arg10[%get3A_470, %get3A_471] {strides = array<i32>} : memref<200x64xf32, #tpu.memory_space<vmem>>, vector<1x16xf32>,
        %get3A_473 = vector.shape_cast %get3A_472 : vector<1x16xf32> to vector<16xf32>
        %add3A_474 = arith.addf %while3A_458, %get3A_473 : vector<16xf32>
        %get3A_475 = arith.index_cast %while3A_455 : i32 to index
        %get3A_476 = arith.constant 48 : index
        %get3A_477 = tpu.vector_load %arg10[%get3A_475, %get3A_476] {strides = array<i32>} : memref<200x64xf32, #tpu.memory_space<vmem>>, vector<1x16xf32>,
        %get3A_478 = vector.shape_cast %get3A_477 : vector<1x16xf32> to vector<16xf32>
        %add3A_479 = arith.addf %while3A_459, %get3A_478 : vector<16xf32>
        scf.yield %add3A_464, %add3A_469, %add3A_474, %add3A_479 : vector<16xf32>, vector<16xf32>, vector<16xf32>, vector<16xf32>
      }
      %while3A_135 = arith.constant 1 : i32
      %while3A_136:4 = scf.for %while3A_455 = %while3A_132 to %while3A_128 step %while3A_135 iter_args(%while3A_456 = %while3A_134#0, %while3A_457 = %while3A_134#1, %while3A_458 = %while3A_134#2, %while3A_459 = %while3A_134#3) -> (vector<16xf32>, vector<16xf32>, vector<16xf32>, vector<16xf32>)  : i32 {
        %get3A_460 = arith.index_cast %while3A_455 : i32 to index
        %get3A_461 = arith.constant 0 : index
        %get3A_462 = tpu.vector_load %arg10[%get3A_460, %get3A_461] {strides = array<i32>} : memref<200x64xf32, #tpu.memory_space<vmem>>, vector<1x16xf32>,
        %get3A_463 = vector.shape_cast %get3A_462 : vector<1x16xf32> to vector<16xf32>
        %add3A_464 = arith.addf %while3A_456, %get3A_463 : vector<16xf32>
        %get3A_465 = arith.index_cast %while3A_455 : i32 to index
        %get3A_466 = arith.constant 16 : index
        %get3A_467 = tpu.vector_load %arg10[%get3A_465, %get3A_466] {strides = array<i32>} : memref<200x64xf32, #tpu.memory_space<vmem>>, vector<1x16xf32>,
        %get3A_468 = vector.shape_cast %get3A_467 : vector<1x16xf32> to vector<16xf32>
        %add3A_469 = arith.addf %while3A_457, %get3A_468 : vector<16xf32>
        %get3A_470 = arith.index_cast %while3A_455 : i32 to index
        %get3A_471 = arith.constant 32 : index
        %get3A_472 = tpu.vector_load %arg10[%get3A_470, %get3A_471] {strides = array<i32>} : memref<200x64xf32, #tpu.memory_space<vmem>>, vector<1x16xf32>,
        %get3A_473 = vector.shape_cast %get3A_472 : vector<1x16xf32> to vector<16xf32>
        %add3A_474 = arith.addf %while3A_458, %get3A_473 : vector<16xf32>
        %get3A_475 = arith.index_cast %while3A_455 : i32 to index
        %get3A_476 = arith.constant 48 : index
        %get3A_477 = tpu.vector_load %arg10[%get3A_475, %get3A_476] {strides = array<i32>} : memref<200x64xf32, #tpu.memory_space<vmem>>, vector<1x16xf32>,
        %get3A_478 = vector.shape_cast %get3A_477 : vector<1x16xf32> to vector<16xf32>
        %add3A_479 = arith.addf %while3A_459, %get3A_478 : vector<16xf32>
        scf.yield %add3A_464, %add3A_469, %add3A_474, %add3A_479 : vector<16xf32>, vector<16xf32>, vector<16xf32>, vector<16xf32>
      }
      %convert_element_type3A = arith.sitofp %squeeze3A : i32 to f32
      %broadcast_in_dim3A_137 = vector.broadcast %convert_element_type3A : f32 to vector<16xf32>
      %div3A = arith.divf %while3A_136#0, %broadcast_in_dim3A_137 : vector<16xf32>
      %swap3A = arith.index_cast %add3A_91 : i32 to index
      %swap3A_138 = arith.constant 0 : index
      %swap3A_139 = tpu.vector_load %arg8[%swap3A, %swap3A_138] {strides = array<i32>} : memref<128x64xf32, #tpu.memory_space<vmem>>, vector<1x16xf32>,
      %swap3A_140 = vector.shape_cast %swap3A_139 : vector<1x16xf32> to vector<16xf32>
      %swap3A_141 = vector.shape_cast %div3A : vector<16xf32> to vector<1x16xf32>
      tpu.vector_store %arg8[%swap3A, %swap3A_138], %swap3A_141 {strides = array<i32>} : memref<128x64xf32, #tpu.memory_space<vmem>>, vector<1x16xf32>,
      %div3A_142 = arith.divf %while3A_136#1, %broadcast_in_dim3A_137 : vector<16xf32>
      %swap3A_143 = arith.index_cast %add3A_91 : i32 to index
      %swap3A_144 = arith.constant 16 : index
      %swap3A_145 = tpu.vector_load %arg8[%swap3A_143, %swap3A_144] {strides = array<i32>} : memref<128x64xf32, #tpu.memory_space<vmem>>, vector<1x16xf32>,
      %swap3A_146 = vector.shape_cast %swap3A_145 : vector<1x16xf32> to vector<16xf32>
      %swap3A_147 = vector.shape_cast %div3A_142 : vector<16xf32> to vector<1x16xf32>
      tpu.vector_store %arg8[%swap3A_143, %swap3A_144], %swap3A_147 {strides = array<i32>} : memref<128x64xf32, #tpu.memory_space<vmem>>, vector<1x16xf32>,
      %div3A_148 = arith.divf %while3A_136#2, %broadcast_in_dim3A_137 : vector<16xf32>
      %swap3A_149 = arith.index_cast %add3A_91 : i32 to index
      %swap3A_150 = arith.constant 32 : index
      %swap3A_151 = tpu.vector_load %arg8[%swap3A_149, %swap3A_150] {strides = array<i32>} : memref<128x64xf32, #tpu.memory_space<vmem>>, vector<1x16xf32>,
      %swap3A_152 = vector.shape_cast %swap3A_151 : vector<1x16xf32> to vector<16xf32>
      %swap3A_153 = vector.shape_cast %div3A_148 : vector<16xf32> to vector<1x16xf32>
      tpu.vector_store %arg8[%swap3A_149, %swap3A_150], %swap3A_153 {strides = array<i32>} : memref<128x64xf32, #tpu.memory_space<vmem>>, vector<1x16xf32>,
      %div3A_154 = arith.divf %while3A_136#3, %broadcast_in_dim3A_137 : vector<16xf32>
      %swap3A_155 = arith.index_cast %add3A_91 : i32 to index
      %swap3A_156 = arith.constant 48 : index
      %swap3A_157 = tpu.vector_load %arg8[%swap3A_155, %swap3A_156] {strides = array<i32>} : memref<128x64xf32, #tpu.memory_space<vmem>>, vector<1x16xf32>,
      %swap3A_158 = vector.shape_cast %swap3A_157 : vector<1x16xf32> to vector<16xf32>
      %swap3A_159 = vector.shape_cast %div3A_154 : vector<16xf32> to vector<1x16xf32>
      tpu.vector_store %arg8[%swap3A_155, %swap3A_156], %swap3A_159 {strides = array<i32>} : memref<128x64xf32, #tpu.memory_space<vmem>>, vector<1x16xf32>,
      %dma_wait3A_160 = arith.constant 0 : i32
      %dma_wait3A_161 = arith.constant 0 : i32
      %dma_wait3A_162 = tpu.memref_slice %arg5[%add3A_109, %dma_wait3A_160, %dma_wait3A_161] : memref<4096x200x64xf32, #tpu.memory_space<hbm>> -> memref<1x200x64xf32, #tpu.memory_space<hbm>>
      %dma_wait3A_163 = tpu.memref_squeeze %dma_wait3A_162 : memref<1x200x64xf32, #tpu.memory_space<hbm>> -> memref<200x64xf32, #tpu.memory_space<hbm>>
      %dma_wait3A_164 = arith.constant 0 : i32
      %dma_wait3A_165 = arith.constant 0 : i32
      %dma_wait3A_166 = tpu.memref_slice %arg5[%add3A_109, %dma_wait3A_164, %dma_wait3A_165] : memref<4096x200x64xf32, #tpu.memory_space<hbm>> -> memref<1x200x64xf32, #tpu.memory_space<hbm>>
      %dma_wait3A_167 = tpu.memref_squeeze %dma_wait3A_166 : memref<1x200x64xf32, #tpu.memory_space<hbm>> -> memref<200x64xf32, #tpu.memory_space<hbm>>
      tpu.wait_dma2 semaphore(%arg18 : memref<!tpu.dma_semaphore, #tpu.memory_space<semaphore_mem>>) src(%arg10 : memref<200x64xf32, #tpu.memory_space<vmem>>) dst(%dma_wait3A_167 : memref<200x64xf32, #tpu.memory_space<hbm>>)
      %add3A_168 = arith.constant 4 : i32
      %add3A_169 = arith.addi %add3A_91, %add3A_168 : i32
      %lt3A = arith.constant 128 : i32
      %lt3A_170 = arith.cmpi slt, %add3A_169, %lt3A : i32
      %convert_element_type3A_171 = arith.extui %lt3A_170 : i1 to i32
      %cond3A = arith.constant 0 : i32
      %cond3A_172 = arith.cmpi ne, %convert_element_type3A_171, %cond3A : i32
      scf.if %cond3A_172 {
        %add3A_455 = arith.constant 4 : i32
        %add3A_456 = arith.addi %add3A_91, %add3A_455 : i32
        %dma_start3A_457 = arith.constant 0 : i32
        %dma_start3A_458 = arith.constant 0 : i32
        %dma_start3A_459 = tpu.memref_slice %arg10[%dma_start3A_457, %dma_start3A_458] : memref<200x64xf32, #tpu.memory_space<vmem>> -> memref<128x64xf32, #tpu.memory_space<vmem>>
        %dma_start3A_460 = arith.constant 0 : i32
        %dma_start3A_461 = tpu.memref_slice %arg7[%add3A_456, %dma_start3A_460] : memref<128x200xi32, #tpu.memory_space<vmem>> -> memref<1x128xi32, #tpu.memory_space<vmem>>
        %dma_start3A_462 = tpu.memref_squeeze %dma_start3A_461 : memref<1x128xi32, #tpu.memory_space<vmem>> -> memref<128xi32, #tpu.memory_space<vmem>>
        %dma_start3A_463 = arith.constant 0 : i32
        %dma_start3A_464 = arith.constant 0 : i32
        %dma_start3A_465 = tpu.memref_slice %arg4[%dma_start3A_463, %dma_start3A_464] : memref<1000000x64xf32, #tpu.memory_space<hbm>> -> memref<1000000x64xf32, #tpu.memory_space<hbm>>
        tpu.enqueue_indirect_dma source(%dma_start3A_465 : memref<1000000x64xf32, #tpu.memory_space<hbm>>) target(%dma_start3A_459 : memref<128x64xf32, #tpu.memory_space<vmem>>) offsets(%dma_start3A_462 : memref<128xi32, #tpu.memory_space<vmem>>) semaphore(%arg14 : memref<!tpu.dma_semaphore, #tpu.memory_space<semaphore_mem>>)
        %dma_start3A_466 = arith.constant 128 : i32
        %dma_start3A_467 = arith.constant 0 : i32
        %dma_start3A_468 = tpu.memref_slice %arg10[%dma_start3A_466, %dma_start3A_467] : memref<200x64xf32, #tpu.memory_space<vmem>> -> memref<72x64xf32, #tpu.memory_space<vmem>>
        %dma_start3A_469 = arith.constant 128 : i32
        %dma_start3A_470 = tpu.memref_slice %arg7[%add3A_456, %dma_start3A_469] : memref<128x200xi32, #tpu.memory_space<vmem>> -> memref<1x72xi32, #tpu.memory_space<vmem>>
        %dma_start3A_471 = tpu.memref_squeeze %dma_start3A_470 : memref<1x72xi32, #tpu.memory_space<vmem>> -> memref<72xi32, #tpu.memory_space<vmem>>
        %dma_start3A_472 = arith.constant 0 : i32
        %dma_start3A_473 = arith.constant 0 : i32
        %dma_start3A_474 = tpu.memref_slice %arg4[%dma_start3A_472, %dma_start3A_473] : memref<1000000x64xf32, #tpu.memory_space<hbm>> -> memref<1000000x64xf32, #tpu.memory_space<hbm>>
        tpu.enqueue_indirect_dma source(%dma_start3A_474 : memref<1000000x64xf32, #tpu.memory_space<hbm>>) target(%dma_start3A_468 : memref<72x64xf32, #tpu.memory_space<vmem>>) offsets(%dma_start3A_471 : memref<72xi32, #tpu.memory_space<vmem>>) semaphore(%arg14 : memref<!tpu.dma_semaphore, #tpu.memory_space<semaphore_mem>>)
      } else {
      }
      %add3A_173 = arith.constant 1 : i32
      %add3A_174 = arith.addi %mul3A_89, %add3A_173 : i32
      %dma_wait3A_175 = arith.constant 0 : i32
      %dma_wait3A_176 = arith.constant 0 : i32
      %dma_wait3A_177 = tpu.memref_slice %arg11[%dma_wait3A_175, %dma_wait3A_176] : memref<200x64xf32, #tpu.memory_space<vmem>> -> memref<128x64xf32, #tpu.memory_space<vmem>>
      %dma_wait3A_178 = arith.constant 0 : i32
      %dma_wait3A_179 = tpu.memref_slice %arg7[%add3A_174, %dma_wait3A_178] : memref<128x200xi32, #tpu.memory_space<vmem>> -> memref<1x128xi32, #tpu.memory_space<vmem>>
      %dma_wait3A_180 = tpu.memref_squeeze %dma_wait3A_179 : memref<1x128xi32, #tpu.memory_space<vmem>> -> memref<128xi32, #tpu.memory_space<vmem>>
      %dma_wait3A_181 = arith.constant 0 : i32
      %dma_wait3A_182 = arith.constant 0 : i32
      %dma_wait3A_183 = tpu.memref_slice %arg4[%dma_wait3A_181, %dma_wait3A_182] : memref<1000000x64xf32, #tpu.memory_space<hbm>> -> memref<1000000x64xf32, #tpu.memory_space<hbm>>
      tpu.wait_indirect_dma semaphore(%arg15 : memref<!tpu.dma_semaphore, #tpu.memory_space<semaphore_mem>>) src(%dma_wait3A_183 : memref<1000000x64xf32, #tpu.memory_space<hbm>>) dst(%dma_wait3A_177 : memref<128x64xf32, #tpu.memory_space<vmem>>)
      %dma_wait3A_184 = arith.constant 128 : i32
      %dma_wait3A_185 = arith.constant 0 : i32
      %dma_wait3A_186 = tpu.memref_slice %arg11[%dma_wait3A_184, %dma_wait3A_185] : memref<200x64xf32, #tpu.memory_space<vmem>> -> memref<72x64xf32, #tpu.memory_space<vmem>>
      %dma_wait3A_187 = arith.constant 128 : i32
      %dma_wait3A_188 = tpu.memref_slice %arg7[%add3A_174, %dma_wait3A_187] : memref<128x200xi32, #tpu.memory_space<vmem>> -> memref<1x72xi32, #tpu.memory_space<vmem>>
      %dma_wait3A_189 = tpu.memref_squeeze %dma_wait3A_188 : memref<1x72xi32, #tpu.memory_space<vmem>> -> memref<72xi32, #tpu.memory_space<vmem>>
      %dma_wait3A_190 = arith.constant 0 : i32
      %dma_wait3A_191 = arith.constant 0 : i32
      %dma_wait3A_192 = tpu.memref_slice %arg4[%dma_wait3A_190, %dma_wait3A_191] : memref<1000000x64xf32, #tpu.memory_space<hbm>> -> memref<1000000x64xf32, #tpu.memory_space<hbm>>
      tpu.wait_indirect_dma semaphore(%arg15 : memref<!tpu.dma_semaphore, #tpu.memory_space<semaphore_mem>>) src(%dma_wait3A_192 : memref<1000000x64xf32, #tpu.memory_space<hbm>>) dst(%dma_wait3A_186 : memref<72x64xf32, #tpu.memory_space<vmem>>)
      %add3A_193 = arith.addi %mul3A_2, %add3A_174 : i32
      %dma_start3A_194 = arith.constant 0 : i32
      %dma_start3A_195 = arith.constant 0 : i32
      %dma_start3A_196 = tpu.memref_slice %arg5[%add3A_193, %dma_start3A_194, %dma_start3A_195] : memref<4096x200x64xf32, #tpu.memory_space<hbm>> -> memref<1x200x64xf32, #tpu.memory_space<hbm>>
      %dma_start3A_197 = tpu.memref_squeeze %dma_start3A_196 : memref<1x200x64xf32, #tpu.memory_space<hbm>> -> memref<200x64xf32, #tpu.memory_space<hbm>>
      %dma_start3A_198 = arith.constant 0 : i32
      %dma_start3A_199 = arith.constant 0 : i32
      %dma_start3A_200 = tpu.memref_slice %arg5[%add3A_193, %dma_start3A_198, %dma_start3A_199] : memref<4096x200x64xf32, #tpu.memory_space<hbm>> -> memref<1x200x64xf32, #tpu.memory_space<hbm>>
      %dma_start3A_201 = tpu.memref_squeeze %dma_start3A_200 : memref<1x200x64xf32, #tpu.memory_space<hbm>> -> memref<200x64xf32, #tpu.memory_space<hbm>>
      tpu.enqueue_dma source(%arg11 : memref<200x64xf32, #tpu.memory_space<vmem>>) target(%dma_start3A_201 : memref<200x64xf32, #tpu.memory_space<hbm>>) target_semaphore(%arg19 : memref<!tpu.dma_semaphore, #tpu.memory_space<semaphore_mem>>)
      %get3A_202 = arith.index_cast %add3A_174 : i32 to index
      %get3A_203 = tpu.vector_load %arg9[%get3A_202] {strides = array<i32>} : memref<144xi32, #tpu.memory_space<vmem>>, vector<16xi32>,
      %get3A_204 = vector.shape_cast %get3A_203 : vector<16xi32> to vector<16xi32>
      %slice3A_205 = vector.extract_strided_slice %get3A_204 {offsets = [0], sizes = [1], strides = [1]} : vector<16xi32> to vector<1xi32>
      %squeeze3A_206 = vector.extract %slice3A_205[0] : i32 from vector<1xi32>
      %broadcast_in_dim3A_207 = arith.constant 0.000000e+00 : f32
      %broadcast_in_dim3A_208 = vector.broadcast %broadcast_in_dim3A_207 : f32 to vector<16xf32>
      %broadcast_in_dim3A_209 = arith.constant 0.000000e+00 : f32
      %broadcast_in_dim3A_210 = vector.broadcast %broadcast_in_dim3A_209 : f32 to vector<16xf32>
      %broadcast_in_dim3A_211 = arith.constant 0.000000e+00 : f32
      %broadcast_in_dim3A_212 = vector.broadcast %broadcast_in_dim3A_211 : f32 to vector<16xf32>
      %broadcast_in_dim3A_213 = arith.constant 0.000000e+00 : f32
      %broadcast_in_dim3A_214 = vector.broadcast %broadcast_in_dim3A_213 : f32 to vector<16xf32>
      %while3A_215 = arith.constant 0 : i32
      %while3A_216 = arith.subi %squeeze3A_206, %while3A_215 : i32
      %while3A_217 = arith.addi %while3A_215, %while3A_216 : i32
      %while3A_218 = arith.constant 1 : i32
      %while3A_219 = arith.divsi %while3A_216, %while3A_218 : i32
      %while3A_220 = arith.muli %while3A_219, %while3A_218 : i32
      %while3A_221 = arith.addi %while3A_215, %while3A_220 : i32
      %while3A_222 = arith.constant 1 : i32
      %while3A_223:4 = scf.for %while3A_455 = %while3A_215 to %while3A_221 step %while3A_222 iter_args(%while3A_456 = %broadcast_in_dim3A_208, %while3A_457 = %broadcast_in_dim3A_210, %while3A_458 = %broadcast_in_dim3A_212, %while3A_459 = %broadcast_in_dim3A_214) -> (vector<16xf32>, vector<16xf32>, vector<16xf32>, vector<16xf32>)  : i32 {
        %get3A_460 = arith.index_cast %while3A_455 : i32 to index
        %get3A_461 = arith.constant 0 : index
        %get3A_462 = tpu.vector_load %arg11[%get3A_460, %get3A_461] {strides = array<i32>} : memref<200x64xf32, #tpu.memory_space<vmem>>, vector<1x16xf32>,
        %get3A_463 = vector.shape_cast %get3A_462 : vector<1x16xf32> to vector<16xf32>
        %add3A_464 = arith.addf %while3A_456, %get3A_463 : vector<16xf32>
        %get3A_465 = arith.index_cast %while3A_455 : i32 to index
        %get3A_466 = arith.constant 16 : index
        %get3A_467 = tpu.vector_load %arg11[%get3A_465, %get3A_466] {strides = array<i32>} : memref<200x64xf32, #tpu.memory_space<vmem>>, vector<1x16xf32>,
        %get3A_468 = vector.shape_cast %get3A_467 : vector<1x16xf32> to vector<16xf32>
        %add3A_469 = arith.addf %while3A_457, %get3A_468 : vector<16xf32>
        %get3A_470 = arith.index_cast %while3A_455 : i32 to index
        %get3A_471 = arith.constant 32 : index
        %get3A_472 = tpu.vector_load %arg11[%get3A_470, %get3A_471] {strides = array<i32>} : memref<200x64xf32, #tpu.memory_space<vmem>>, vector<1x16xf32>,
        %get3A_473 = vector.shape_cast %get3A_472 : vector<1x16xf32> to vector<16xf32>
        %add3A_474 = arith.addf %while3A_458, %get3A_473 : vector<16xf32>
        %get3A_475 = arith.index_cast %while3A_455 : i32 to index
        %get3A_476 = arith.constant 48 : index
        %get3A_477 = tpu.vector_load %arg11[%get3A_475, %get3A_476] {strides = array<i32>} : memref<200x64xf32, #tpu.memory_space<vmem>>, vector<1x16xf32>,
        %get3A_478 = vector.shape_cast %get3A_477 : vector<1x16xf32> to vector<16xf32>
        %add3A_479 = arith.addf %while3A_459, %get3A_478 : vector<16xf32>
        scf.yield %add3A_464, %add3A_469, %add3A_474, %add3A_479 : vector<16xf32>, vector<16xf32>, vector<16xf32>, vector<16xf32>
      }
      %while3A_224 = arith.constant 1 : i32
      %while3A_225:4 = scf.for %while3A_455 = %while3A_221 to %while3A_217 step %while3A_224 iter_args(%while3A_456 = %while3A_223#0, %while3A_457 = %while3A_223#1, %while3A_458 = %while3A_223#2, %while3A_459 = %while3A_223#3) -> (vector<16xf32>, vector<16xf32>, vector<16xf32>, vector<16xf32>)  : i32 {
        %get3A_460 = arith.index_cast %while3A_455 : i32 to index
        %get3A_461 = arith.constant 0 : index
        %get3A_462 = tpu.vector_load %arg11[%get3A_460, %get3A_461] {strides = array<i32>} : memref<200x64xf32, #tpu.memory_space<vmem>>, vector<1x16xf32>,
        %get3A_463 = vector.shape_cast %get3A_462 : vector<1x16xf32> to vector<16xf32>
        %add3A_464 = arith.addf %while3A_456, %get3A_463 : vector<16xf32>
        %get3A_465 = arith.index_cast %while3A_455 : i32 to index
        %get3A_466 = arith.constant 16 : index
        %get3A_467 = tpu.vector_load %arg11[%get3A_465, %get3A_466] {strides = array<i32>} : memref<200x64xf32, #tpu.memory_space<vmem>>, vector<1x16xf32>,
        %get3A_468 = vector.shape_cast %get3A_467 : vector<1x16xf32> to vector<16xf32>
        %add3A_469 = arith.addf %while3A_457, %get3A_468 : vector<16xf32>
        %get3A_470 = arith.index_cast %while3A_455 : i32 to index
        %get3A_471 = arith.constant 32 : index
        %get3A_472 = tpu.vector_load %arg11[%get3A_470, %get3A_471] {strides = array<i32>} : memref<200x64xf32, #tpu.memory_space<vmem>>, vector<1x16xf32>,
        %get3A_473 = vector.shape_cast %get3A_472 : vector<1x16xf32> to vector<16xf32>
        %add3A_474 = arith.addf %while3A_458, %get3A_473 : vector<16xf32>
        %get3A_475 = arith.index_cast %while3A_455 : i32 to index
        %get3A_476 = arith.constant 48 : index
        %get3A_477 = tpu.vector_load %arg11[%get3A_475, %get3A_476] {strides = array<i32>} : memref<200x64xf32, #tpu.memory_space<vmem>>, vector<1x16xf32>,
        %get3A_478 = vector.shape_cast %get3A_477 : vector<1x16xf32> to vector<16xf32>
        %add3A_479 = arith.addf %while3A_459, %get3A_478 : vector<16xf32>
        scf.yield %add3A_464, %add3A_469, %add3A_474, %add3A_479 : vector<16xf32>, vector<16xf32>, vector<16xf32>, vector<16xf32>
      }
      %convert_element_type3A_226 = arith.sitofp %squeeze3A_206 : i32 to f32
      %broadcast_in_dim3A_227 = vector.broadcast %convert_element_type3A_226 : f32 to vector<16xf32>
      %div3A_228 = arith.divf %while3A_225#0, %broadcast_in_dim3A_227 : vector<16xf32>
      %swap3A_229 = arith.index_cast %add3A_174 : i32 to index
      %swap3A_230 = arith.constant 0 : index
      %swap3A_231 = tpu.vector_load %arg8[%swap3A_229, %swap3A_230] {strides = array<i32>} : memref<128x64xf32, #tpu.memory_space<vmem>>, vector<1x16xf32>,
      %swap3A_232 = vector.shape_cast %swap3A_231 : vector<1x16xf32> to vector<16xf32>
      %swap3A_233 = vector.shape_cast %div3A_228 : vector<16xf32> to vector<1x16xf32>
      tpu.vector_store %arg8[%swap3A_229, %swap3A_230], %swap3A_233 {strides = array<i32>} : memref<128x64xf32, #tpu.memory_space<vmem>>, vector<1x16xf32>,
      %div3A_234 = arith.divf %while3A_225#1, %broadcast_in_dim3A_227 : vector<16xf32>
      %swap3A_235 = arith.index_cast %add3A_174 : i32 to index
      %swap3A_236 = arith.constant 16 : index
      %swap3A_237 = tpu.vector_load %arg8[%swap3A_235, %swap3A_236] {strides = array<i32>} : memref<128x64xf32, #tpu.memory_space<vmem>>, vector<1x16xf32>,
      %swap3A_238 = vector.shape_cast %swap3A_237 : vector<1x16xf32> to vector<16xf32>
      %swap3A_239 = vector.shape_cast %div3A_234 : vector<16xf32> to vector<1x16xf32>
      tpu.vector_store %arg8[%swap3A_235, %swap3A_236], %swap3A_239 {strides = array<i32>} : memref<128x64xf32, #tpu.memory_space<vmem>>, vector<1x16xf32>,
      %div3A_240 = arith.divf %while3A_225#2, %broadcast_in_dim3A_227 : vector<16xf32>
      %swap3A_241 = arith.index_cast %add3A_174 : i32 to index
      %swap3A_242 = arith.constant 32 : index
      %swap3A_243 = tpu.vector_load %arg8[%swap3A_241, %swap3A_242] {strides = array<i32>} : memref<128x64xf32, #tpu.memory_space<vmem>>, vector<1x16xf32>,
      %swap3A_244 = vector.shape_cast %swap3A_243 : vector<1x16xf32> to vector<16xf32>
      %swap3A_245 = vector.shape_cast %div3A_240 : vector<16xf32> to vector<1x16xf32>
      tpu.vector_store %arg8[%swap3A_241, %swap3A_242], %swap3A_245 {strides = array<i32>} : memref<128x64xf32, #tpu.memory_space<vmem>>, vector<1x16xf32>,
      %div3A_246 = arith.divf %while3A_225#3, %broadcast_in_dim3A_227 : vector<16xf32>
      %swap3A_247 = arith.index_cast %add3A_174 : i32 to index
      %swap3A_248 = arith.constant 48 : index
      %swap3A_249 = tpu.vector_load %arg8[%swap3A_247, %swap3A_248] {strides = array<i32>} : memref<128x64xf32, #tpu.memory_space<vmem>>, vector<1x16xf32>,
      %swap3A_250 = vector.shape_cast %swap3A_249 : vector<1x16xf32> to vector<16xf32>
      %swap3A_251 = vector.shape_cast %div3A_246 : vector<16xf32> to vector<1x16xf32>
      tpu.vector_store %arg8[%swap3A_247, %swap3A_248], %swap3A_251 {strides = array<i32>} : memref<128x64xf32, #tpu.memory_space<vmem>>, vector<1x16xf32>,
      %dma_wait3A_252 = arith.constant 0 : i32
      %dma_wait3A_253 = arith.constant 0 : i32
      %dma_wait3A_254 = tpu.memref_slice %arg5[%add3A_193, %dma_wait3A_252, %dma_wait3A_253] : memref<4096x200x64xf32, #tpu.memory_space<hbm>> -> memref<1x200x64xf32, #tpu.memory_space<hbm>>
      %dma_wait3A_255 = tpu.memref_squeeze %dma_wait3A_254 : memref<1x200x64xf32, #tpu.memory_space<hbm>> -> memref<200x64xf32, #tpu.memory_space<hbm>>
      %dma_wait3A_256 = arith.constant 0 : i32
      %dma_wait3A_257 = arith.constant 0 : i32
      %dma_wait3A_258 = tpu.memref_slice %arg5[%add3A_193, %dma_wait3A_256, %dma_wait3A_257] : memref<4096x200x64xf32, #tpu.memory_space<hbm>> -> memref<1x200x64xf32, #tpu.memory_space<hbm>>
      %dma_wait3A_259 = tpu.memref_squeeze %dma_wait3A_258 : memref<1x200x64xf32, #tpu.memory_space<hbm>> -> memref<200x64xf32, #tpu.memory_space<hbm>>
      tpu.wait_dma2 semaphore(%arg19 : memref<!tpu.dma_semaphore, #tpu.memory_space<semaphore_mem>>) src(%arg11 : memref<200x64xf32, #tpu.memory_space<vmem>>) dst(%dma_wait3A_259 : memref<200x64xf32, #tpu.memory_space<hbm>>)
      %add3A_260 = arith.constant 4 : i32
      %add3A_261 = arith.addi %add3A_174, %add3A_260 : i32
      %lt3A_262 = arith.constant 128 : i32
      %lt3A_263 = arith.cmpi slt, %add3A_261, %lt3A_262 : i32
      %convert_element_type3A_264 = arith.extui %lt3A_263 : i1 to i32
      %cond3A_265 = arith.constant 0 : i32
      %cond3A_266 = arith.cmpi ne, %convert_element_type3A_264, %cond3A_265 : i32
      scf.if %cond3A_266 {
        %add3A_455 = arith.constant 4 : i32
        %add3A_456 = arith.addi %add3A_174, %add3A_455 : i32
        %dma_start3A_457 = arith.constant 0 : i32
        %dma_start3A_458 = arith.constant 0 : i32
        %dma_start3A_459 = tpu.memref_slice %arg11[%dma_start3A_457, %dma_start3A_458] : memref<200x64xf32, #tpu.memory_space<vmem>> -> memref<128x64xf32, #tpu.memory_space<vmem>>
        %dma_start3A_460 = arith.constant 0 : i32
        %dma_start3A_461 = tpu.memref_slice %arg7[%add3A_456, %dma_start3A_460] : memref<128x200xi32, #tpu.memory_space<vmem>> -> memref<1x128xi32, #tpu.memory_space<vmem>>
        %dma_start3A_462 = tpu.memref_squeeze %dma_start3A_461 : memref<1x128xi32, #tpu.memory_space<vmem>> -> memref<128xi32, #tpu.memory_space<vmem>>
        %dma_start3A_463 = arith.constant 0 : i32
        %dma_start3A_464 = arith.constant 0 : i32
        %dma_start3A_465 = tpu.memref_slice %arg4[%dma_start3A_463, %dma_start3A_464] : memref<1000000x64xf32, #tpu.memory_space<hbm>> -> memref<1000000x64xf32, #tpu.memory_space<hbm>>
        tpu.enqueue_indirect_dma source(%dma_start3A_465 : memref<1000000x64xf32, #tpu.memory_space<hbm>>) target(%dma_start3A_459 : memref<128x64xf32, #tpu.memory_space<vmem>>) offsets(%dma_start3A_462 : memref<128xi32, #tpu.memory_space<vmem>>) semaphore(%arg15 : memref<!tpu.dma_semaphore, #tpu.memory_space<semaphore_mem>>)
        %dma_start3A_466 = arith.constant 128 : i32
        %dma_start3A_467 = arith.constant 0 : i32
        %dma_start3A_468 = tpu.memref_slice %arg11[%dma_start3A_466, %dma_start3A_467] : memref<200x64xf32, #tpu.memory_space<vmem>> -> memref<72x64xf32, #tpu.memory_space<vmem>>
        %dma_start3A_469 = arith.constant 128 : i32
        %dma_start3A_470 = tpu.memref_slice %arg7[%add3A_456, %dma_start3A_469] : memref<128x200xi32, #tpu.memory_space<vmem>> -> memref<1x72xi32, #tpu.memory_space<vmem>>
        %dma_start3A_471 = tpu.memref_squeeze %dma_start3A_470 : memref<1x72xi32, #tpu.memory_space<vmem>> -> memref<72xi32, #tpu.memory_space<vmem>>
        %dma_start3A_472 = arith.constant 0 : i32
        %dma_start3A_473 = arith.constant 0 : i32
        %dma_start3A_474 = tpu.memref_slice %arg4[%dma_start3A_472, %dma_start3A_473] : memref<1000000x64xf32, #tpu.memory_space<hbm>> -> memref<1000000x64xf32, #tpu.memory_space<hbm>>
        tpu.enqueue_indirect_dma source(%dma_start3A_474 : memref<1000000x64xf32, #tpu.memory_space<hbm>>) target(%dma_start3A_468 : memref<72x64xf32, #tpu.memory_space<vmem>>) offsets(%dma_start3A_471 : memref<72xi32, #tpu.memory_space<vmem>>) semaphore(%arg15 : memref<!tpu.dma_semaphore, #tpu.memory_space<semaphore_mem>>)
      } else {
      }
      %add3A_267 = arith.constant 2 : i32
      %add3A_268 = arith.addi %mul3A_89, %add3A_267 : i32
      %dma_wait3A_269 = arith.constant 0 : i32
      %dma_wait3A_270 = arith.constant 0 : i32
      %dma_wait3A_271 = tpu.memref_slice %arg12[%dma_wait3A_269, %dma_wait3A_270] : memref<200x64xf32, #tpu.memory_space<vmem>> -> memref<128x64xf32, #tpu.memory_space<vmem>>
      %dma_wait3A_272 = arith.constant 0 : i32
      %dma_wait3A_273 = tpu.memref_slice %arg7[%add3A_268, %dma_wait3A_272] : memref<128x200xi32, #tpu.memory_space<vmem>> -> memref<1x128xi32, #tpu.memory_space<vmem>>
      %dma_wait3A_274 = tpu.memref_squeeze %dma_wait3A_273 : memref<1x128xi32, #tpu.memory_space<vmem>> -> memref<128xi32, #tpu.memory_space<vmem>>
      %dma_wait3A_275 = arith.constant 0 : i32
      %dma_wait3A_276 = arith.constant 0 : i32
      %dma_wait3A_277 = tpu.memref_slice %arg4[%dma_wait3A_275, %dma_wait3A_276] : memref<1000000x64xf32, #tpu.memory_space<hbm>> -> memref<1000000x64xf32, #tpu.memory_space<hbm>>
      tpu.wait_indirect_dma semaphore(%arg16 : memref<!tpu.dma_semaphore, #tpu.memory_space<semaphore_mem>>) src(%dma_wait3A_277 : memref<1000000x64xf32, #tpu.memory_space<hbm>>) dst(%dma_wait3A_271 : memref<128x64xf32, #tpu.memory_space<vmem>>)
      %dma_wait3A_278 = arith.constant 128 : i32
      %dma_wait3A_279 = arith.constant 0 : i32
      %dma_wait3A_280 = tpu.memref_slice %arg12[%dma_wait3A_278, %dma_wait3A_279] : memref<200x64xf32, #tpu.memory_space<vmem>> -> memref<72x64xf32, #tpu.memory_space<vmem>>
      %dma_wait3A_281 = arith.constant 128 : i32
      %dma_wait3A_282 = tpu.memref_slice %arg7[%add3A_268, %dma_wait3A_281] : memref<128x200xi32, #tpu.memory_space<vmem>> -> memref<1x72xi32, #tpu.memory_space<vmem>>
      %dma_wait3A_283 = tpu.memref_squeeze %dma_wait3A_282 : memref<1x72xi32, #tpu.memory_space<vmem>> -> memref<72xi32, #tpu.memory_space<vmem>>
      %dma_wait3A_284 = arith.constant 0 : i32
      %dma_wait3A_285 = arith.constant 0 : i32
      %dma_wait3A_286 = tpu.memref_slice %arg4[%dma_wait3A_284, %dma_wait3A_285] : memref<1000000x64xf32, #tpu.memory_space<hbm>> -> memref<1000000x64xf32, #tpu.memory_space<hbm>>
      tpu.wait_indirect_dma semaphore(%arg16 : memref<!tpu.dma_semaphore, #tpu.memory_space<semaphore_mem>>) src(%dma_wait3A_286 : memref<1000000x64xf32, #tpu.memory_space<hbm>>) dst(%dma_wait3A_280 : memref<72x64xf32, #tpu.memory_space<vmem>>)
      %add3A_287 = arith.addi %mul3A_2, %add3A_268 : i32
      %dma_start3A_288 = arith.constant 0 : i32
      %dma_start3A_289 = arith.constant 0 : i32
      %dma_start3A_290 = tpu.memref_slice %arg5[%add3A_287, %dma_start3A_288, %dma_start3A_289] : memref<4096x200x64xf32, #tpu.memory_space<hbm>> -> memref<1x200x64xf32, #tpu.memory_space<hbm>>
      %dma_start3A_291 = tpu.memref_squeeze %dma_start3A_290 : memref<1x200x64xf32, #tpu.memory_space<hbm>> -> memref<200x64xf32, #tpu.memory_space<hbm>>
      %dma_start3A_292 = arith.constant 0 : i32
      %dma_start3A_293 = arith.constant 0 : i32
      %dma_start3A_294 = tpu.memref_slice %arg5[%add3A_287, %dma_start3A_292, %dma_start3A_293] : memref<4096x200x64xf32, #tpu.memory_space<hbm>> -> memref<1x200x64xf32, #tpu.memory_space<hbm>>
      %dma_start3A_295 = tpu.memref_squeeze %dma_start3A_294 : memref<1x200x64xf32, #tpu.memory_space<hbm>> -> memref<200x64xf32, #tpu.memory_space<hbm>>
      tpu.enqueue_dma source(%arg12 : memref<200x64xf32, #tpu.memory_space<vmem>>) target(%dma_start3A_295 : memref<200x64xf32, #tpu.memory_space<hbm>>) target_semaphore(%arg20 : memref<!tpu.dma_semaphore, #tpu.memory_space<semaphore_mem>>)
      %get3A_296 = arith.index_cast %add3A_268 : i32 to index
      %get3A_297 = tpu.vector_load %arg9[%get3A_296] {strides = array<i32>} : memref<144xi32, #tpu.memory_space<vmem>>, vector<16xi32>,
      %get3A_298 = vector.shape_cast %get3A_297 : vector<16xi32> to vector<16xi32>
      %slice3A_299 = vector.extract_strided_slice %get3A_298 {offsets = [0], sizes = [1], strides = [1]} : vector<16xi32> to vector<1xi32>
      %squeeze3A_300 = vector.extract %slice3A_299[0] : i32 from vector<1xi32>
      %broadcast_in_dim3A_301 = arith.constant 0.000000e+00 : f32
      %broadcast_in_dim3A_302 = vector.broadcast %broadcast_in_dim3A_301 : f32 to vector<16xf32>
      %broadcast_in_dim3A_303 = arith.constant 0.000000e+00 : f32
      %broadcast_in_dim3A_304 = vector.broadcast %broadcast_in_dim3A_303 : f32 to vector<16xf32>
      %broadcast_in_dim3A_305 = arith.constant 0.000000e+00 : f32
      %broadcast_in_dim3A_306 = vector.broadcast %broadcast_in_dim3A_305 : f32 to vector<16xf32>
      %broadcast_in_dim3A_307 = arith.constant 0.000000e+00 : f32
      %broadcast_in_dim3A_308 = vector.broadcast %broadcast_in_dim3A_307 : f32 to vector<16xf32>
      %while3A_309 = arith.constant 0 : i32
      %while3A_310 = arith.subi %squeeze3A_300, %while3A_309 : i32
      %while3A_311 = arith.addi %while3A_309, %while3A_310 : i32
      %while3A_312 = arith.constant 1 : i32
      %while3A_313 = arith.divsi %while3A_310, %while3A_312 : i32
      %while3A_314 = arith.muli %while3A_313, %while3A_312 : i32
      %while3A_315 = arith.addi %while3A_309, %while3A_314 : i32
      %while3A_316 = arith.constant 1 : i32
      %while3A_317:4 = scf.for %while3A_455 = %while3A_309 to %while3A_315 step %while3A_316 iter_args(%while3A_456 = %broadcast_in_dim3A_302, %while3A_457 = %broadcast_in_dim3A_304, %while3A_458 = %broadcast_in_dim3A_306, %while3A_459 = %broadcast_in_dim3A_308) -> (vector<16xf32>, vector<16xf32>, vector<16xf32>, vector<16xf32>)  : i32 {
        %get3A_460 = arith.index_cast %while3A_455 : i32 to index
        %get3A_461 = arith.constant 0 : index
        %get3A_462 = tpu.vector_load %arg12[%get3A_460, %get3A_461] {strides = array<i32>} : memref<200x64xf32, #tpu.memory_space<vmem>>, vector<1x16xf32>,
        %get3A_463 = vector.shape_cast %get3A_462 : vector<1x16xf32> to vector<16xf32>
        %add3A_464 = arith.addf %while3A_456, %get3A_463 : vector<16xf32>
        %get3A_465 = arith.index_cast %while3A_455 : i32 to index
        %get3A_466 = arith.constant 16 : index
        %get3A_467 = tpu.vector_load %arg12[%get3A_465, %get3A_466] {strides = array<i32>} : memref<200x64xf32, #tpu.memory_space<vmem>>, vector<1x16xf32>,
        %get3A_468 = vector.shape_cast %get3A_467 : vector<1x16xf32> to vector<16xf32>
        %add3A_469 = arith.addf %while3A_457, %get3A_468 : vector<16xf32>
        %get3A_470 = arith.index_cast %while3A_455 : i32 to index
        %get3A_471 = arith.constant 32 : index
        %get3A_472 = tpu.vector_load %arg12[%get3A_470, %get3A_471] {strides = array<i32>} : memref<200x64xf32, #tpu.memory_space<vmem>>, vector<1x16xf32>,
        %get3A_473 = vector.shape_cast %get3A_472 : vector<1x16xf32> to vector<16xf32>
        %add3A_474 = arith.addf %while3A_458, %get3A_473 : vector<16xf32>
        %get3A_475 = arith.index_cast %while3A_455 : i32 to index
        %get3A_476 = arith.constant 48 : index
        %get3A_477 = tpu.vector_load %arg12[%get3A_475, %get3A_476] {strides = array<i32>} : memref<200x64xf32, #tpu.memory_space<vmem>>, vector<1x16xf32>,
        %get3A_478 = vector.shape_cast %get3A_477 : vector<1x16xf32> to vector<16xf32>
        %add3A_479 = arith.addf %while3A_459, %get3A_478 : vector<16xf32>
        scf.yield %add3A_464, %add3A_469, %add3A_474, %add3A_479 : vector<16xf32>, vector<16xf32>, vector<16xf32>, vector<16xf32>
      }
      %while3A_318 = arith.constant 1 : i32
      %while3A_319:4 = scf.for %while3A_455 = %while3A_315 to %while3A_311 step %while3A_318 iter_args(%while3A_456 = %while3A_317#0, %while3A_457 = %while3A_317#1, %while3A_458 = %while3A_317#2, %while3A_459 = %while3A_317#3) -> (vector<16xf32>, vector<16xf32>, vector<16xf32>, vector<16xf32>)  : i32 {
        %get3A_460 = arith.index_cast %while3A_455 : i32 to index
        %get3A_461 = arith.constant 0 : index
        %get3A_462 = tpu.vector_load %arg12[%get3A_460, %get3A_461] {strides = array<i32>} : memref<200x64xf32, #tpu.memory_space<vmem>>, vector<1x16xf32>,
        %get3A_463 = vector.shape_cast %get3A_462 : vector<1x16xf32> to vector<16xf32>
        %add3A_464 = arith.addf %while3A_456, %get3A_463 : vector<16xf32>
        %get3A_465 = arith.index_cast %while3A_455 : i32 to index
        %get3A_466 = arith.constant 16 : index
        %get3A_467 = tpu.vector_load %arg12[%get3A_465, %get3A_466] {strides = array<i32>} : memref<200x64xf32, #tpu.memory_space<vmem>>, vector<1x16xf32>,
        %get3A_468 = vector.shape_cast %get3A_467 : vector<1x16xf32> to vector<16xf32>
        %add3A_469 = arith.addf %while3A_457, %get3A_468 : vector<16xf32>
        %get3A_470 = arith.index_cast %while3A_455 : i32 to index
        %get3A_471 = arith.constant 32 : index
        %get3A_472 = tpu.vector_load %arg12[%get3A_470, %get3A_471] {strides = array<i32>} : memref<200x64xf32, #tpu.memory_space<vmem>>, vector<1x16xf32>,
        %get3A_473 = vector.shape_cast %get3A_472 : vector<1x16xf32> to vector<16xf32>
        %add3A_474 = arith.addf %while3A_458, %get3A_473 : vector<16xf32>
        %get3A_475 = arith.index_cast %while3A_455 : i32 to index
        %get3A_476 = arith.constant 48 : index
        %get3A_477 = tpu.vector_load %arg12[%get3A_475, %get3A_476] {strides = array<i32>} : memref<200x64xf32, #tpu.memory_space<vmem>>, vector<1x16xf32>,
        %get3A_478 = vector.shape_cast %get3A_477 : vector<1x16xf32> to vector<16xf32>
        %add3A_479 = arith.addf %while3A_459, %get3A_478 : vector<16xf32>
        scf.yield %add3A_464, %add3A_469, %add3A_474, %add3A_479 : vector<16xf32>, vector<16xf32>, vector<16xf32>, vector<16xf32>
      }
      %convert_element_type3A_320 = arith.sitofp %squeeze3A_300 : i32 to f32
      %broadcast_in_dim3A_321 = vector.broadcast %convert_element_type3A_320 : f32 to vector<16xf32>
      %div3A_322 = arith.divf %while3A_319#0, %broadcast_in_dim3A_321 : vector<16xf32>
      %swap3A_323 = arith.index_cast %add3A_268 : i32 to index
      %swap3A_324 = arith.constant 0 : index
      %swap3A_325 = tpu.vector_load %arg8[%swap3A_323, %swap3A_324] {strides = array<i32>} : memref<128x64xf32, #tpu.memory_space<vmem>>, vector<1x16xf32>,
      %swap3A_326 = vector.shape_cast %swap3A_325 : vector<1x16xf32> to vector<16xf32>
      %swap3A_327 = vector.shape_cast %div3A_322 : vector<16xf32> to vector<1x16xf32>
      tpu.vector_store %arg8[%swap3A_323, %swap3A_324], %swap3A_327 {strides = array<i32>} : memref<128x64xf32, #tpu.memory_space<vmem>>, vector<1x16xf32>,
      %div3A_328 = arith.divf %while3A_319#1, %broadcast_in_dim3A_321 : vector<16xf32>
      %swap3A_329 = arith.index_cast %add3A_268 : i32 to index
      %swap3A_330 = arith.constant 16 : index
      %swap3A_331 = tpu.vector_load %arg8[%swap3A_329, %swap3A_330] {strides = array<i32>} : memref<128x64xf32, #tpu.memory_space<vmem>>, vector<1x16xf32>,
      %swap3A_332 = vector.shape_cast %swap3A_331 : vector<1x16xf32> to vector<16xf32>
      %swap3A_333 = vector.shape_cast %div3A_328 : vector<16xf32> to vector<1x16xf32>
      tpu.vector_store %arg8[%swap3A_329, %swap3A_330], %swap3A_333 {strides = array<i32>} : memref<128x64xf32, #tpu.memory_space<vmem>>, vector<1x16xf32>,
      %div3A_334 = arith.divf %while3A_319#2, %broadcast_in_dim3A_321 : vector<16xf32>
      %swap3A_335 = arith.index_cast %add3A_268 : i32 to index
      %swap3A_336 = arith.constant 32 : index
      %swap3A_337 = tpu.vector_load %arg8[%swap3A_335, %swap3A_336] {strides = array<i32>} : memref<128x64xf32, #tpu.memory_space<vmem>>, vector<1x16xf32>,
      %swap3A_338 = vector.shape_cast %swap3A_337 : vector<1x16xf32> to vector<16xf32>
      %swap3A_339 = vector.shape_cast %div3A_334 : vector<16xf32> to vector<1x16xf32>
      tpu.vector_store %arg8[%swap3A_335, %swap3A_336], %swap3A_339 {strides = array<i32>} : memref<128x64xf32, #tpu.memory_space<vmem>>, vector<1x16xf32>,
      %div3A_340 = arith.divf %while3A_319#3, %broadcast_in_dim3A_321 : vector<16xf32>
      %swap3A_341 = arith.index_cast %add3A_268 : i32 to index
      %swap3A_342 = arith.constant 48 : index
      %swap3A_343 = tpu.vector_load %arg8[%swap3A_341, %swap3A_342] {strides = array<i32>} : memref<128x64xf32, #tpu.memory_space<vmem>>, vector<1x16xf32>,
      %swap3A_344 = vector.shape_cast %swap3A_343 : vector<1x16xf32> to vector<16xf32>
      %swap3A_345 = vector.shape_cast %div3A_340 : vector<16xf32> to vector<1x16xf32>
      tpu.vector_store %arg8[%swap3A_341, %swap3A_342], %swap3A_345 {strides = array<i32>} : memref<128x64xf32, #tpu.memory_space<vmem>>, vector<1x16xf32>,
      %dma_wait3A_346 = arith.constant 0 : i32
      %dma_wait3A_347 = arith.constant 0 : i32
      %dma_wait3A_348 = tpu.memref_slice %arg5[%add3A_287, %dma_wait3A_346, %dma_wait3A_347] : memref<4096x200x64xf32, #tpu.memory_space<hbm>> -> memref<1x200x64xf32, #tpu.memory_space<hbm>>
      %dma_wait3A_349 = tpu.memref_squeeze %dma_wait3A_348 : memref<1x200x64xf32, #tpu.memory_space<hbm>> -> memref<200x64xf32, #tpu.memory_space<hbm>>
      %dma_wait3A_350 = arith.constant 0 : i32
      %dma_wait3A_351 = arith.constant 0 : i32
      %dma_wait3A_352 = tpu.memref_slice %arg5[%add3A_287, %dma_wait3A_350, %dma_wait3A_351] : memref<4096x200x64xf32, #tpu.memory_space<hbm>> -> memref<1x200x64xf32, #tpu.memory_space<hbm>>
      %dma_wait3A_353 = tpu.memref_squeeze %dma_wait3A_352 : memref<1x200x64xf32, #tpu.memory_space<hbm>> -> memref<200x64xf32, #tpu.memory_space<hbm>>
      tpu.wait_dma2 semaphore(%arg20 : memref<!tpu.dma_semaphore, #tpu.memory_space<semaphore_mem>>) src(%arg12 : memref<200x64xf32, #tpu.memory_space<vmem>>) dst(%dma_wait3A_353 : memref<200x64xf32, #tpu.memory_space<hbm>>)
      %add3A_354 = arith.constant 4 : i32
      %add3A_355 = arith.addi %add3A_268, %add3A_354 : i32
      %lt3A_356 = arith.constant 128 : i32
      %lt3A_357 = arith.cmpi slt, %add3A_355, %lt3A_356 : i32
      %convert_element_type3A_358 = arith.extui %lt3A_357 : i1 to i32
      %cond3A_359 = arith.constant 0 : i32
      %cond3A_360 = arith.cmpi ne, %convert_element_type3A_358, %cond3A_359 : i32
      scf.if %cond3A_360 {
        %add3A_455 = arith.constant 4 : i32
        %add3A_456 = arith.addi %add3A_268, %add3A_455 : i32
        %dma_start3A_457 = arith.constant 0 : i32
        %dma_start3A_458 = arith.constant 0 : i32
        %dma_start3A_459 = tpu.memref_slice %arg12[%dma_start3A_457, %dma_start3A_458] : memref<200x64xf32, #tpu.memory_space<vmem>> -> memref<128x64xf32, #tpu.memory_space<vmem>>
        %dma_start3A_460 = arith.constant 0 : i32
        %dma_start3A_461 = tpu.memref_slice %arg7[%add3A_456, %dma_start3A_460] : memref<128x200xi32, #tpu.memory_space<vmem>> -> memref<1x128xi32, #tpu.memory_space<vmem>>
        %dma_start3A_462 = tpu.memref_squeeze %dma_start3A_461 : memref<1x128xi32, #tpu.memory_space<vmem>> -> memref<128xi32, #tpu.memory_space<vmem>>
        %dma_start3A_463 = arith.constant 0 : i32
        %dma_start3A_464 = arith.constant 0 : i32
        %dma_start3A_465 = tpu.memref_slice %arg4[%dma_start3A_463, %dma_start3A_464] : memref<1000000x64xf32, #tpu.memory_space<hbm>> -> memref<1000000x64xf32, #tpu.memory_space<hbm>>
        tpu.enqueue_indirect_dma source(%dma_start3A_465 : memref<1000000x64xf32, #tpu.memory_space<hbm>>) target(%dma_start3A_459 : memref<128x64xf32, #tpu.memory_space<vmem>>) offsets(%dma_start3A_462 : memref<128xi32, #tpu.memory_space<vmem>>) semaphore(%arg16 : memref<!tpu.dma_semaphore, #tpu.memory_space<semaphore_mem>>)
        %dma_start3A_466 = arith.constant 128 : i32
        %dma_start3A_467 = arith.constant 0 : i32
        %dma_start3A_468 = tpu.memref_slice %arg12[%dma_start3A_466, %dma_start3A_467] : memref<200x64xf32, #tpu.memory_space<vmem>> -> memref<72x64xf32, #tpu.memory_space<vmem>>
        %dma_start3A_469 = arith.constant 128 : i32
        %dma_start3A_470 = tpu.memref_slice %arg7[%add3A_456, %dma_start3A_469] : memref<128x200xi32, #tpu.memory_space<vmem>> -> memref<1x72xi32, #tpu.memory_space<vmem>>
        %dma_start3A_471 = tpu.memref_squeeze %dma_start3A_470 : memref<1x72xi32, #tpu.memory_space<vmem>> -> memref<72xi32, #tpu.memory_space<vmem>>
        %dma_start3A_472 = arith.constant 0 : i32
        %dma_start3A_473 = arith.constant 0 : i32
        %dma_start3A_474 = tpu.memref_slice %arg4[%dma_start3A_472, %dma_start3A_473] : memref<1000000x64xf32, #tpu.memory_space<hbm>> -> memref<1000000x64xf32, #tpu.memory_space<hbm>>
        tpu.enqueue_indirect_dma source(%dma_start3A_474 : memref<1000000x64xf32, #tpu.memory_space<hbm>>) target(%dma_start3A_468 : memref<72x64xf32, #tpu.memory_space<vmem>>) offsets(%dma_start3A_471 : memref<72xi32, #tpu.memory_space<vmem>>) semaphore(%arg16 : memref<!tpu.dma_semaphore, #tpu.memory_space<semaphore_mem>>)
      } else {
      }
      %add3A_361 = arith.constant 3 : i32
      %add3A_362 = arith.addi %mul3A_89, %add3A_361 : i32
      %dma_wait3A_363 = arith.constant 0 : i32
      %dma_wait3A_364 = arith.constant 0 : i32
      %dma_wait3A_365 = tpu.memref_slice %arg13[%dma_wait3A_363, %dma_wait3A_364] : memref<200x64xf32, #tpu.memory_space<vmem>> -> memref<128x64xf32, #tpu.memory_space<vmem>>
      %dma_wait3A_366 = arith.constant 0 : i32
      %dma_wait3A_367 = tpu.memref_slice %arg7[%add3A_362, %dma_wait3A_366] : memref<128x200xi32, #tpu.memory_space<vmem>> -> memref<1x128xi32, #tpu.memory_space<vmem>>
      %dma_wait3A_368 = tpu.memref_squeeze %dma_wait3A_367 : memref<1x128xi32, #tpu.memory_space<vmem>> -> memref<128xi32, #tpu.memory_space<vmem>>
      %dma_wait3A_369 = arith.constant 0 : i32
      %dma_wait3A_370 = arith.constant 0 : i32
      %dma_wait3A_371 = tpu.memref_slice %arg4[%dma_wait3A_369, %dma_wait3A_370] : memref<1000000x64xf32, #tpu.memory_space<hbm>> -> memref<1000000x64xf32, #tpu.memory_space<hbm>>
      tpu.wait_indirect_dma semaphore(%arg17 : memref<!tpu.dma_semaphore, #tpu.memory_space<semaphore_mem>>) src(%dma_wait3A_371 : memref<1000000x64xf32, #tpu.memory_space<hbm>>) dst(%dma_wait3A_365 : memref<128x64xf32, #tpu.memory_space<vmem>>)
      %dma_wait3A_372 = arith.constant 128 : i32
      %dma_wait3A_373 = arith.constant 0 : i32
      %dma_wait3A_374 = tpu.memref_slice %arg13[%dma_wait3A_372, %dma_wait3A_373] : memref<200x64xf32, #tpu.memory_space<vmem>> -> memref<72x64xf32, #tpu.memory_space<vmem>>
      %dma_wait3A_375 = arith.constant 128 : i32
      %dma_wait3A_376 = tpu.memref_slice %arg7[%add3A_362, %dma_wait3A_375] : memref<128x200xi32, #tpu.memory_space<vmem>> -> memref<1x72xi32, #tpu.memory_space<vmem>>
      %dma_wait3A_377 = tpu.memref_squeeze %dma_wait3A_376 : memref<1x72xi32, #tpu.memory_space<vmem>> -> memref<72xi32, #tpu.memory_space<vmem>>
      %dma_wait3A_378 = arith.constant 0 : i32
      %dma_wait3A_379 = arith.constant 0 : i32
      %dma_wait3A_380 = tpu.memref_slice %arg4[%dma_wait3A_378, %dma_wait3A_379] : memref<1000000x64xf32, #tpu.memory_space<hbm>> -> memref<1000000x64xf32, #tpu.memory_space<hbm>>
      tpu.wait_indirect_dma semaphore(%arg17 : memref<!tpu.dma_semaphore, #tpu.memory_space<semaphore_mem>>) src(%dma_wait3A_380 : memref<1000000x64xf32, #tpu.memory_space<hbm>>) dst(%dma_wait3A_374 : memref<72x64xf32, #tpu.memory_space<vmem>>)
      %add3A_381 = arith.addi %mul3A_2, %add3A_362 : i32
      %dma_start3A_382 = arith.constant 0 : i32
      %dma_start3A_383 = arith.constant 0 : i32
      %dma_start3A_384 = tpu.memref_slice %arg5[%add3A_381, %dma_start3A_382, %dma_start3A_383] : memref<4096x200x64xf32, #tpu.memory_space<hbm>> -> memref<1x200x64xf32, #tpu.memory_space<hbm>>
      %dma_start3A_385 = tpu.memref_squeeze %dma_start3A_384 : memref<1x200x64xf32, #tpu.memory_space<hbm>> -> memref<200x64xf32, #tpu.memory_space<hbm>>
      %dma_start3A_386 = arith.constant 0 : i32
      %dma_start3A_387 = arith.constant 0 : i32
      %dma_start3A_388 = tpu.memref_slice %arg5[%add3A_381, %dma_start3A_386, %dma_start3A_387] : memref<4096x200x64xf32, #tpu.memory_space<hbm>> -> memref<1x200x64xf32, #tpu.memory_space<hbm>>
      %dma_start3A_389 = tpu.memref_squeeze %dma_start3A_388 : memref<1x200x64xf32, #tpu.memory_space<hbm>> -> memref<200x64xf32, #tpu.memory_space<hbm>>
      tpu.enqueue_dma source(%arg13 : memref<200x64xf32, #tpu.memory_space<vmem>>) target(%dma_start3A_389 : memref<200x64xf32, #tpu.memory_space<hbm>>) target_semaphore(%arg21 : memref<!tpu.dma_semaphore, #tpu.memory_space<semaphore_mem>>)
      %get3A_390 = arith.index_cast %add3A_362 : i32 to index
      %get3A_391 = tpu.vector_load %arg9[%get3A_390] {strides = array<i32>} : memref<144xi32, #tpu.memory_space<vmem>>, vector<16xi32>,
      %get3A_392 = vector.shape_cast %get3A_391 : vector<16xi32> to vector<16xi32>
      %slice3A_393 = vector.extract_strided_slice %get3A_392 {offsets = [0], sizes = [1], strides = [1]} : vector<16xi32> to vector<1xi32>
      %squeeze3A_394 = vector.extract %slice3A_393[0] : i32 from vector<1xi32>
      %broadcast_in_dim3A_395 = arith.constant 0.000000e+00 : f32
      %broadcast_in_dim3A_396 = vector.broadcast %broadcast_in_dim3A_395 : f32 to vector<16xf32>
      %broadcast_in_dim3A_397 = arith.constant 0.000000e+00 : f32
      %broadcast_in_dim3A_398 = vector.broadcast %broadcast_in_dim3A_397 : f32 to vector<16xf32>
      %broadcast_in_dim3A_399 = arith.constant 0.000000e+00 : f32
      %broadcast_in_dim3A_400 = vector.broadcast %broadcast_in_dim3A_399 : f32 to vector<16xf32>
      %broadcast_in_dim3A_401 = arith.constant 0.000000e+00 : f32
      %broadcast_in_dim3A_402 = vector.broadcast %broadcast_in_dim3A_401 : f32 to vector<16xf32>
      %while3A_403 = arith.constant 0 : i32
      %while3A_404 = arith.subi %squeeze3A_394, %while3A_403 : i32
      %while3A_405 = arith.addi %while3A_403, %while3A_404 : i32
      %while3A_406 = arith.constant 1 : i32
      %while3A_407 = arith.divsi %while3A_404, %while3A_406 : i32
      %while3A_408 = arith.muli %while3A_407, %while3A_406 : i32
      %while3A_409 = arith.addi %while3A_403, %while3A_408 : i32
      %while3A_410 = arith.constant 1 : i32
      %while3A_411:4 = scf.for %while3A_455 = %while3A_403 to %while3A_409 step %while3A_410 iter_args(%while3A_456 = %broadcast_in_dim3A_396, %while3A_457 = %broadcast_in_dim3A_398, %while3A_458 = %broadcast_in_dim3A_400, %while3A_459 = %broadcast_in_dim3A_402) -> (vector<16xf32>, vector<16xf32>, vector<16xf32>, vector<16xf32>)  : i32 {
        %get3A_460 = arith.index_cast %while3A_455 : i32 to index
        %get3A_461 = arith.constant 0 : index
        %get3A_462 = tpu.vector_load %arg13[%get3A_460, %get3A_461] {strides = array<i32>} : memref<200x64xf32, #tpu.memory_space<vmem>>, vector<1x16xf32>,
        %get3A_463 = vector.shape_cast %get3A_462 : vector<1x16xf32> to vector<16xf32>
        %add3A_464 = arith.addf %while3A_456, %get3A_463 : vector<16xf32>
        %get3A_465 = arith.index_cast %while3A_455 : i32 to index
        %get3A_466 = arith.constant 16 : index
        %get3A_467 = tpu.vector_load %arg13[%get3A_465, %get3A_466] {strides = array<i32>} : memref<200x64xf32, #tpu.memory_space<vmem>>, vector<1x16xf32>,
        %get3A_468 = vector.shape_cast %get3A_467 : vector<1x16xf32> to vector<16xf32>
        %add3A_469 = arith.addf %while3A_457, %get3A_468 : vector<16xf32>
        %get3A_470 = arith.index_cast %while3A_455 : i32 to index
        %get3A_471 = arith.constant 32 : index
        %get3A_472 = tpu.vector_load %arg13[%get3A_470, %get3A_471] {strides = array<i32>} : memref<200x64xf32, #tpu.memory_space<vmem>>, vector<1x16xf32>,
        %get3A_473 = vector.shape_cast %get3A_472 : vector<1x16xf32> to vector<16xf32>
        %add3A_474 = arith.addf %while3A_458, %get3A_473 : vector<16xf32>
        %get3A_475 = arith.index_cast %while3A_455 : i32 to index
        %get3A_476 = arith.constant 48 : index
        %get3A_477 = tpu.vector_load %arg13[%get3A_475, %get3A_476] {strides = array<i32>} : memref<200x64xf32, #tpu.memory_space<vmem>>, vector<1x16xf32>,
        %get3A_478 = vector.shape_cast %get3A_477 : vector<1x16xf32> to vector<16xf32>
        %add3A_479 = arith.addf %while3A_459, %get3A_478 : vector<16xf32>
        scf.yield %add3A_464, %add3A_469, %add3A_474, %add3A_479 : vector<16xf32>, vector<16xf32>, vector<16xf32>, vector<16xf32>
      }
      %while3A_412 = arith.constant 1 : i32
      %while3A_413:4 = scf.for %while3A_455 = %while3A_409 to %while3A_405 step %while3A_412 iter_args(%while3A_456 = %while3A_411#0, %while3A_457 = %while3A_411#1, %while3A_458 = %while3A_411#2, %while3A_459 = %while3A_411#3) -> (vector<16xf32>, vector<16xf32>, vector<16xf32>, vector<16xf32>)  : i32 {
        %get3A_460 = arith.index_cast %while3A_455 : i32 to index
        %get3A_461 = arith.constant 0 : index
        %get3A_462 = tpu.vector_load %arg13[%get3A_460, %get3A_461] {strides = array<i32>} : memref<200x64xf32, #tpu.memory_space<vmem>>, vector<1x16xf32>,
        %get3A_463 = vector.shape_cast %get3A_462 : vector<1x16xf32> to vector<16xf32>
        %add3A_464 = arith.addf %while3A_456, %get3A_463 : vector<16xf32>
        %get3A_465 = arith.index_cast %while3A_455 : i32 to index
        %get3A_466 = arith.constant 16 : index
        %get3A_467 = tpu.vector_load %arg13[%get3A_465, %get3A_466] {strides = array<i32>} : memref<200x64xf32, #tpu.memory_space<vmem>>, vector<1x16xf32>,
        %get3A_468 = vector.shape_cast %get3A_467 : vector<1x16xf32> to vector<16xf32>
        %add3A_469 = arith.addf %while3A_457, %get3A_468 : vector<16xf32>
        %get3A_470 = arith.index_cast %while3A_455 : i32 to index
        %get3A_471 = arith.constant 32 : index
        %get3A_472 = tpu.vector_load %arg13[%get3A_470, %get3A_471] {strides = array<i32>} : memref<200x64xf32, #tpu.memory_space<vmem>>, vector<1x16xf32>,
        %get3A_473 = vector.shape_cast %get3A_472 : vector<1x16xf32> to vector<16xf32>
        %add3A_474 = arith.addf %while3A_458, %get3A_473 : vector<16xf32>
        %get3A_475 = arith.index_cast %while3A_455 : i32 to index
        %get3A_476 = arith.constant 48 : index
        %get3A_477 = tpu.vector_load %arg13[%get3A_475, %get3A_476] {strides = array<i32>} : memref<200x64xf32, #tpu.memory_space<vmem>>, vector<1x16xf32>,
        %get3A_478 = vector.shape_cast %get3A_477 : vector<1x16xf32> to vector<16xf32>
        %add3A_479 = arith.addf %while3A_459, %get3A_478 : vector<16xf32>
        scf.yield %add3A_464, %add3A_469, %add3A_474, %add3A_479 : vector<16xf32>, vector<16xf32>, vector<16xf32>, vector<16xf32>
      }
      %convert_element_type3A_414 = arith.sitofp %squeeze3A_394 : i32 to f32
      %broadcast_in_dim3A_415 = vector.broadcast %convert_element_type3A_414 : f32 to vector<16xf32>
      %div3A_416 = arith.divf %while3A_413#0, %broadcast_in_dim3A_415 : vector<16xf32>
      %swap3A_417 = arith.index_cast %add3A_362 : i32 to index
      %swap3A_418 = arith.constant 0 : index
      %swap3A_419 = tpu.vector_load %arg8[%swap3A_417, %swap3A_418] {strides = array<i32>} : memref<128x64xf32, #tpu.memory_space<vmem>>, vector<1x16xf32>,
      %swap3A_420 = vector.shape_cast %swap3A_419 : vector<1x16xf32> to vector<16xf32>
      %swap3A_421 = vector.shape_cast %div3A_416 : vector<16xf32> to vector<1x16xf32>
      tpu.vector_store %arg8[%swap3A_417, %swap3A_418], %swap3A_421 {strides = array<i32>} : memref<128x64xf32, #tpu.memory_space<vmem>>, vector<1x16xf32>,
      %div3A_422 = arith.divf %while3A_413#1, %broadcast_in_dim3A_415 : vector<16xf32>
      %swap3A_423 = arith.index_cast %add3A_362 : i32 to index
      %swap3A_424 = arith.constant 16 : index
      %swap3A_425 = tpu.vector_load %arg8[%swap3A_423, %swap3A_424] {strides = array<i32>} : memref<128x64xf32, #tpu.memory_space<vmem>>, vector<1x16xf32>,
      %swap3A_426 = vector.shape_cast %swap3A_425 : vector<1x16xf32> to vector<16xf32>
      %swap3A_427 = vector.shape_cast %div3A_422 : vector<16xf32> to vector<1x16xf32>
      tpu.vector_store %arg8[%swap3A_423, %swap3A_424], %swap3A_427 {strides = array<i32>} : memref<128x64xf32, #tpu.memory_space<vmem>>, vector<1x16xf32>,
      %div3A_428 = arith.divf %while3A_413#2, %broadcast_in_dim3A_415 : vector<16xf32>
      %swap3A_429 = arith.index_cast %add3A_362 : i32 to index
      %swap3A_430 = arith.constant 32 : index
      %swap3A_431 = tpu.vector_load %arg8[%swap3A_429, %swap3A_430] {strides = array<i32>} : memref<128x64xf32, #tpu.memory_space<vmem>>, vector<1x16xf32>,
      %swap3A_432 = vector.shape_cast %swap3A_431 : vector<1x16xf32> to vector<16xf32>
      %swap3A_433 = vector.shape_cast %div3A_428 : vector<16xf32> to vector<1x16xf32>
      tpu.vector_store %arg8[%swap3A_429, %swap3A_430], %swap3A_433 {strides = array<i32>} : memref<128x64xf32, #tpu.memory_space<vmem>>, vector<1x16xf32>,
      %div3A_434 = arith.divf %while3A_413#3, %broadcast_in_dim3A_415 : vector<16xf32>
      %swap3A_435 = arith.index_cast %add3A_362 : i32 to index
      %swap3A_436 = arith.constant 48 : index
      %swap3A_437 = tpu.vector_load %arg8[%swap3A_435, %swap3A_436] {strides = array<i32>} : memref<128x64xf32, #tpu.memory_space<vmem>>, vector<1x16xf32>,
      %swap3A_438 = vector.shape_cast %swap3A_437 : vector<1x16xf32> to vector<16xf32>
      %swap3A_439 = vector.shape_cast %div3A_434 : vector<16xf32> to vector<1x16xf32>
      tpu.vector_store %arg8[%swap3A_435, %swap3A_436], %swap3A_439 {strides = array<i32>} : memref<128x64xf32, #tpu.memory_space<vmem>>, vector<1x16xf32>,
      %dma_wait3A_440 = arith.constant 0 : i32
      %dma_wait3A_441 = arith.constant 0 : i32
      %dma_wait3A_442 = tpu.memref_slice %arg5[%add3A_381, %dma_wait3A_440, %dma_wait3A_441] : memref<4096x200x64xf32, #tpu.memory_space<hbm>> -> memref<1x200x64xf32, #tpu.memory_space<hbm>>
      %dma_wait3A_443 = tpu.memref_squeeze %dma_wait3A_442 : memref<1x200x64xf32, #tpu.memory_space<hbm>> -> memref<200x64xf32, #tpu.memory_space<hbm>>
      %dma_wait3A_444 = arith.constant 0 : i32
      %dma_wait3A_445 = arith.constant 0 : i32
      %dma_wait3A_446 = tpu.memref_slice %arg5[%add3A_381, %dma_wait3A_444, %dma_wait3A_445] : memref<4096x200x64xf32, #tpu.memory_space<hbm>> -> memref<1x200x64xf32, #tpu.memory_space<hbm>>
      %dma_wait3A_447 = tpu.memref_squeeze %dma_wait3A_446 : memref<1x200x64xf32, #tpu.memory_space<hbm>> -> memref<200x64xf32, #tpu.memory_space<hbm>>
      tpu.wait_dma2 semaphore(%arg21 : memref<!tpu.dma_semaphore, #tpu.memory_space<semaphore_mem>>) src(%arg13 : memref<200x64xf32, #tpu.memory_space<vmem>>) dst(%dma_wait3A_447 : memref<200x64xf32, #tpu.memory_space<hbm>>)
      %add3A_448 = arith.constant 4 : i32
      %add3A_449 = arith.addi %add3A_362, %add3A_448 : i32
      %lt3A_450 = arith.constant 128 : i32
      %lt3A_451 = arith.cmpi slt, %add3A_449, %lt3A_450 : i32
      %convert_element_type3A_452 = arith.extui %lt3A_451 : i1 to i32
      %cond3A_453 = arith.constant 0 : i32
      %cond3A_454 = arith.cmpi ne, %convert_element_type3A_452, %cond3A_453 : i32
      scf.if %cond3A_454 {
        %add3A_455 = arith.constant 4 : i32
        %add3A_456 = arith.addi %add3A_362, %add3A_455 : i32
        %dma_start3A_457 = arith.constant 0 : i32
        %dma_start3A_458 = arith.constant 0 : i32
        %dma_start3A_459 = tpu.memref_slice %arg13[%dma_start3A_457, %dma_start3A_458] : memref<200x64xf32, #tpu.memory_space<vmem>> -> memref<128x64xf32, #tpu.memory_space<vmem>>
        %dma_start3A_460 = arith.constant 0 : i32
        %dma_start3A_461 = tpu.memref_slice %arg7[%add3A_456, %dma_start3A_460] : memref<128x200xi32, #tpu.memory_space<vmem>> -> memref<1x128xi32, #tpu.memory_space<vmem>>
        %dma_start3A_462 = tpu.memref_squeeze %dma_start3A_461 : memref<1x128xi32, #tpu.memory_space<vmem>> -> memref<128xi32, #tpu.memory_space<vmem>>
        %dma_start3A_463 = arith.constant 0 : i32
        %dma_start3A_464 = arith.constant 0 : i32
        %dma_start3A_465 = tpu.memref_slice %arg4[%dma_start3A_463, %dma_start3A_464] : memref<1000000x64xf32, #tpu.memory_space<hbm>> -> memref<1000000x64xf32, #tpu.memory_space<hbm>>
        tpu.enqueue_indirect_dma source(%dma_start3A_465 : memref<1000000x64xf32, #tpu.memory_space<hbm>>) target(%dma_start3A_459 : memref<128x64xf32, #tpu.memory_space<vmem>>) offsets(%dma_start3A_462 : memref<128xi32, #tpu.memory_space<vmem>>) semaphore(%arg17 : memref<!tpu.dma_semaphore, #tpu.memory_space<semaphore_mem>>)
        %dma_start3A_466 = arith.constant 128 : i32
        %dma_start3A_467 = arith.constant 0 : i32
        %dma_start3A_468 = tpu.memref_slice %arg13[%dma_start3A_466, %dma_start3A_467] : memref<200x64xf32, #tpu.memory_space<vmem>> -> memref<72x64xf32, #tpu.memory_space<vmem>>
        %dma_start3A_469 = arith.constant 128 : i32
        %dma_start3A_470 = tpu.memref_slice %arg7[%add3A_456, %dma_start3A_469] : memref<128x200xi32, #tpu.memory_space<vmem>> -> memref<1x72xi32, #tpu.memory_space<vmem>>
        %dma_start3A_471 = tpu.memref_squeeze %dma_start3A_470 : memref<1x72xi32, #tpu.memory_space<vmem>> -> memref<72xi32, #tpu.memory_space<vmem>>
        %dma_start3A_472 = arith.constant 0 : i32
        %dma_start3A_473 = arith.constant 0 : i32
        %dma_start3A_474 = tpu.memref_slice %arg4[%dma_start3A_472, %dma_start3A_473] : memref<1000000x64xf32, #tpu.memory_space<hbm>> -> memref<1000000x64xf32, #tpu.memory_space<hbm>>
        tpu.enqueue_indirect_dma source(%dma_start3A_474 : memref<1000000x64xf32, #tpu.memory_space<hbm>>) target(%dma_start3A_468 : memref<72x64xf32, #tpu.memory_space<vmem>>) offsets(%dma_start3A_471 : memref<72xi32, #tpu.memory_space<vmem>>) semaphore(%arg17 : memref<!tpu.dma_semaphore, #tpu.memory_space<semaphore_mem>>)
      } else {
      }
    }
    %scan3A_86 = arith.constant 32 : i32
    "tpu.region"() ({
      %run_scoped3A = tpu.sem_alloc : memref<!tpu.dma_semaphore, #tpu.memory_space<semaphore_mem>>
      %dma_start3A_87 = arith.constant 0 : i32
      %dma_start3A_88 = tpu.memref_slice %arg6[%mul3A_2, %dma_start3A_87] : memref<4096x64xf32, #tpu.memory_space<hbm>> -> memref<128x64xf32, #tpu.memory_space<hbm>>
      %dma_start3A_89 = arith.constant 0 : i32
      %dma_start3A_90 = tpu.memref_slice %arg6[%mul3A_2, %dma_start3A_89] : memref<4096x64xf32, #tpu.memory_space<hbm>> -> memref<128x64xf32, #tpu.memory_space<hbm>>
      tpu.enqueue_dma source(%arg8 : memref<128x64xf32, #tpu.memory_space<vmem>>) target(%dma_start3A_90 : memref<128x64xf32, #tpu.memory_space<hbm>>) target_semaphore(%run_scoped3A : memref<!tpu.dma_semaphore, #tpu.memory_space<semaphore_mem>>)
      %dma_wait3A = arith.constant 0 : i32
      %dma_wait3A_91 = tpu.memref_slice %arg6[%mul3A_2, %dma_wait3A] : memref<4096x64xf32, #tpu.memory_space<hbm>> -> memref<128x64xf32, #tpu.memory_space<hbm>>
      %dma_wait3A_92 = arith.constant 0 : i32
      %dma_wait3A_93 = tpu.memref_slice %arg6[%mul3A_2, %dma_wait3A_92] : memref<4096x64xf32, #tpu.memory_space<hbm>> -> memref<128x64xf32, #tpu.memory_space<hbm>>
      tpu.wait_dma2 semaphore(%run_scoped3A : memref<!tpu.dma_semaphore, #tpu.memory_space<semaphore_mem>>) src(%arg8 : memref<128x64xf32, #tpu.memory_space<vmem>>) dst(%dma_wait3A_93 : memref<128x64xf32, #tpu.memory_space<hbm>>)
      tpu.yield
    }) : () -> ()
    return
  }
}

</mosaic_0001>

<sc_bundles>
// kernel: _run.3.cloned.1.call-start
scs
__scs_entry_jumppad:
0x0: {  	(pc) =	sbr.rel $0x88, $3  }
0x1: {  	(tag) =	ssettag $0x0;
	lr =	simm.s32 $0x1  }
0x2: {  	[smem:$0x3F9E] =	sst lr;
	_ =	strace $0xD0000000  }
0x3: {  	_ = 	snop  }
0x4: {  	_ = 	snop  }
0x5: {  	_ = 	snop  }
0x6: {  	_ = 	snop  }
0x7: {  	_ = 	snop  }
__scs_overlays_trampoline_lowered:
0x8: {  	[smem:$0x3FAD] =	sst s0  }
0x9: {  	[smem:$0x3FAE] =	sst s1  }
0xa: {  	[smem:$0x3FAF] =	sst s2  }
0xb: {  	[smem:$0x3FB0] =	sst s3  }
0xc: {  	[smem:$0x3FB1] =	sst s4  }
0xd: {  	[smem:$0x3FB2] =	sst s5  }
0xe: {  	[smem:$0x3FB3] =	sst s6  }
0xf: {  	[smem:$0x3FB4] =	sst s7  }
0x10: {  	[smem:$0x3FB5] =	sst s8  }
0x11: {  	[smem:$0x3FB6] =	sst s9;
	s0 =	simm.s32 @!p0 $0x0  }
0x12: {  	s1 =	sld [smem:$0x3F9C];
	s0 =	simm.s32 @p0 $0x1  }
0x13: {  	[smem:$0x3FB7] =	sst s0;
	s0 =	simm.s32 @!p1 $0x0  }
0x14: {  	s2 =	sld [smem:$0x3F9B];
	s0 =	simm.s32 @p1 $0x1  }
0x15: {  	[smem:$0x3FB8] =	sst s0;
	s0 =	simm.s32 @!p2 $0x0  }
0x16: {  	s3 =	sld [smem:$0x3FDB];
	s0 =	simm.s32 @p2 $0x1  }
0x17: {  	s4 =	simm.s32 $0x1BF5;
	[smem:$0x3FBA] =	sst s0  }
0x18: {  	s0 =	sld [smem:$0x3F9D];
	_ =	swait.ge [sflag:s4], $0x0  }
0x19: {  	s7 =	sld [smem:$0x3F9E]  }
0x1a: {  	s8 =	sadd.s32 $0xFFFFE003, lr  }
0x1b: {  	s9 =	sadd.s32 $0xFFFFFEF7, lr;
	s5 =	simm.s32 $0xFFFFFFFF;
	p2 =	slt.u32 s8, $0xFFFFF086  }
0x1c: {  	p1 =	slt.u32 s9, $0xF7A;
	s5 =	simm.s32 @!p2 $0x0  }
0x1d: {  	s5 =	simm.s32 @p1 $0x1;
	p0 =	seq.s32 s7, s2  }
0x1e: {  	s7 =	smul.u32 @!p0 $0xF7A, s2;
	p2 =	seq.s32 @!p0 s5, $0x0  }
0x1f: {  	s9 =	smul.u32 $0xF7A, s1;
	s8 =	simm.s32 @!p0 $0x1BF5;
	p2 =	por !p2, p0  }
0x20: {  	[sflag:s8] =	ssyncset.s32 @!p0 $0xFFFFF086;
	s6 =	sadd.s32 @!p0 s3, s7;
	s7 =	simm.s32 @!p0 $0x108  }
0x21: {  	s3 =	sadd.s32 s3, s9;
	s6 =	sadd.s32 @!p0 $0x88, s6;
	s7 =	simm.s32 @p2 $0x1082  }
0x22: {  	[simem:s7], [sflag:s8] =	dma.local @!p0 [hbm:s6], $0xF7A  }
0x23: {  	s9 =	sor.u32 $0xD0000000, s2;
	s6 =	simm.s32 $0x108;
	_ =	swait.ge @!p0 [sflag:s8], $0x0  }
0x24: {  	s3 =	sadd.s32 $0x88, s3;
	s6 =	simm.s32 @!p1 $0x1082;
	[sflag:s4] =	ssyncset.s32 $0xFFFFF086  }
0x25: {  	[simem:s6], [sflag:s4] =	dma.local [hbm:s3], $0xF7A  }
0x26: {  	[smem:$0x3F9E] =	sst s1;
	(tag) =	ssettag s2;
	_ =	strace s9  }
0x27: {  	s1 =	sld [smem:$0x3FAE]  }
0x28: {  	s2 =	sld [smem:$0x3FAF]  }
0x29: {  	s4 =	sld [smem:$0x3FB1]  }
0x2a: {  	p0 =	seq.s32 s5, $0x0;
	s5 =	sld [smem:$0x3FB2]  }
0x2b: {  	s6 =	sld [smem:$0x3FB3]  }
0x2c: {  	s7 =	sld [smem:$0x3FB4]  }
0x2d: {  	s3 =	simm.s32 $0x108;
	s8 =	sld [smem:$0x3FB5]  }
0x2e: {  	s3 =	simm.s32 @!p0 $0x1082;
	s9 =	sld [smem:$0x3FB6]  }
0x2f: {  	lr =	sadd.s32 s0, s3;
	s0 =	sld [smem:$0x3FAD]  }
0x30: {  	s3 =	sld [smem:$0x3FB0]  }
0x31: {  	[smem:$0x3FB9] =	sst s10  }
0x32: {  	s10 =	sld [smem:$0x3FB7];
	_ =	sdelay $0x3  }
0x33: {  	p0 =	seq.s32 s10, $0x1;
	s10 =	sld [smem:$0x3FB9];
	_ =	sdelay $0x3  }
0x34: {  	[smem:$0x3FB9] =	sst s10  }
0x35: {  	s10 =	sld [smem:$0x3FB8];
	_ =	sdelay $0x3  }
0x36: {  	p1 =	seq.s32 s10, $0x1;
	s10 =	sld [smem:$0x3FB9];
	_ =	sdelay $0x3  }
0x37: {  	[smem:$0x3FB9] =	sst s10  }
0x38: {  	s10 =	sld [smem:$0x3FBA]  }
0x39: {  	_ = 	snop;
	(pc) =	sbr.ind lr, $3  }
0x3a: {  	_ = 	snop  }
0x3b: {  	_ = 	snop  }
0x3c: {  	p2 =	seq.s32 s10, $0x1;
	s10 =	sld [smem:$0x3FB9]  }
0x3d: {  	_ =	shalt  }
0x3e: {  	_ =	shalt  }
0x3f: {  	_ =	shalt  }
0x40: {  	_ =	shalt  }
0x41: {  	_ =	shalt  }
0x42: {  	_ =	shalt  }
0x43: {  	_ =	shalt  }
0x44: {  	_ =	shalt  }
0x45: {  	_ =	shalt  }
0x46: {  	_ =	shalt  }
0x47: {  	_ =	shalt  }
0x48: {  	_ =	shalt  }
0x49: {  	_ =	shalt  }
0x4a: {  	_ =	shalt  }
0x4b: {  	_ =	shalt  }
0x4c: {  	_ =	shalt  }
0x4d: {  	_ =	shalt  }
0x4e: {  	_ =	shalt  }
0x4f: {  	_ =	shalt  }
0x50: {  	_ =	shalt  }
0x51: {  	_ =	shalt  }
0x52: {  	_ =	shalt  }
0x53: {  	_ =	shalt  }
0x54: {  	_ =	shalt  }
0x55: {  	_ =	shalt  }
0x56: {  	_ =	shalt  }
0x57: {  	_ =	shalt  }
0x58: {  	_ =	shalt  }
0x59: {  	_ =	shalt  }
0x5a: {  	_ =	shalt  }
0x5b: {  	_ =	shalt  }
0x5c: {  	_ =	shalt  }
0x5d: {  	_ =	shalt  }
0x5e: {  	_ =	shalt  }
0x5f: {  	_ =	shalt  }
0x60: {  	_ =	shalt  }
0x61: {  	_ =	shalt  }
0x62: {  	_ =	shalt  }
0x63: {  	_ =	shalt  }
0x64: {  	_ =	shalt  }
0x65: {  	_ =	shalt  }
0x66: {  	_ =	shalt  }
0x67: {  	_ =	shalt  }
0x68: {  	_ =	shalt  }
0x69: {  	_ =	shalt  }
0x6a: {  	_ =	shalt  }
0x6b: {  	_ =	shalt  }
0x6c: {  	_ =	shalt  }
0x6d: {  	_ =	shalt  }
0x6e: {  	_ =	shalt  }
0x6f: {  	_ =	shalt  }
0x70: {  	_ =	shalt  }
0x71: {  	_ =	shalt  }
0x72: {  	_ =	shalt  }
0x73: {  	_ =	shalt  }
0x74: {  	_ =	shalt  }
0x75: {  	_ =	shalt  }
0x76: {  	_ =	shalt  }
0x77: {  	_ =	shalt  }
0x78: {  	_ =	shalt  }
0x79: {  	_ =	shalt  }
0x7a: {  	_ =	shalt  }
0x7b: {  	_ =	shalt  }
0x7c: {  	_ =	shalt  }
0x7d: {  	_ =	shalt  }
0x7e: {  	_ =	shalt  }
0x7f: {  	_ =	shalt  }
0x80: {  	_ =	shalt  }
0x81: {  	_ =	shalt  }
0x82: {  	_ =	shalt  }
0x83: {  	_ =	shalt  }
0x84: {  	_ =	shalt  }
0x85: {  	_ =	shalt  }
0x86: {  	_ =	shalt  }
0x87: {  	_ =	shalt  }
.Lfunc_end0:
.L_simem_size_0:
called_computation.1_lowered:
.L_overlay_start_0:
0x88: {  	s2 =	sld [smem:$0x3FD9]  }
0x89: {  	s3 =	sld [smem:$0x3FFE];
	_ =	sdelay $0x1  }
0x8a: {  	s1 =	srdreg.scid  }
0x8b: {  	s0 =	sand.u32 $0x1, s1  }
0x8c: {  	s14 =	sshll.u32 s0, $0xA;
	s2 =	sadd.s32 s3, s2  }
0x8d: {  	s2 =	sadd.s32 s2, s14  }
0x8e: {  	[smem:$0x3FC5] =	sst s2  }
0x8f: {  	_ = 	snop  }
0x90: {  	s2 =	sld [smem:$0x3FD0];
	_ =	sdelay $0x2  }
0x91: {  	s4 =	simm.s32 $0xA;
	s5 =	simm.s32 $0x10;
	s15 =	sld [smem:$0x3FC8]  }
0x92: {  	[smem:s5], [sflag:s4] =	dma.local [hbm:s2], $0x1  }
0x93: {  	_ =	swait.eq [sflag:s4], $0x1  }
0x94: {  	[sflag:s4] =	ssyncset.done $0x0  }
0x95: {  	s16 =	sld [smem:$0x10];
	[sflag:s4] =	ssyncadd.s32 $0xFFFFFFFF  }
0x96: {  	s17 =	sld [smem:$0x11];
	(tm) =	ssettm $0x1  }
0x97: {  	s18 =	sld [smem:$0x3FFB];
	_ =	sdelay $0x3  }
0x98: {  	_ =	strace s18  }
0x99: {  	s5 =	sld [smem:$0x3FFC];
	_ =	sdelay $0x3  }
0x9a: {  	_ =	strace s5  }
0x9b: {  	s5 =	sld [smem:$0x3FFD];
	_ =	sdelay $0x3  }
0x9c: {  	_ =	strace s5  }
0x9d: {  	_ =	strace $0x8FFFFFFF  }
0x9e: {  	s19 =	sld [smem:$0x3FDB];
	_ =	sdelay $0x1  }
0x9f: {  	s6 =	simm.s32 $_scs_section_size  }
0xa0: {  	s7 =	simm.s32 $_size__tile_overlayer_lowered;
	s8 =	simm.s32 $_tile_overlayer_lowered  }
0xa1: {  	s22 =	simm.s32 $0x1BFF;
	s21 =	sshll.u32 s8, $0x1;
	s5 =	sadd.s32 s6, s19  }
0xa2: {  	s9 =	simm.s32 $0x0;
	s20 =	sshll.u32 s7, $0x1;
	s7 =	sadd.s32 s21, s5  }
0xa3: {  	[timem:s9], [sflag:s22] =	dma.local [hbm:s7], s20  }
0xa4: {  	_ =	swait.ge [sflag:s22], s20  }
0xa5: {  	s6 =	ssub.s32 $0x0, s20;
	[sflag:s22] =	ssyncset.done $0x0  }
0xa6: {  	[sflag:s22] =	ssyncadd.s32 s6;
	_ =	sdelay $0x1  }
0xa7: {  	s23 =	simm.s32 $0x1B8B  }
0xa8: {  	_ =	swait.ge [sflag:s23], $0x1  }
0xa9: {  	[sflag:s23] =	ssyncset.done $0x0  }
0xaa: {  	s25 =	simm.s32 $0x1B8E;
	s24 =	sld [smem:$0x3FFE];
	[sflag:s23] =	ssyncadd.s32 $0xFFFFFFFF  }
0xab: {  	s26 =	simm.s32 $execute0_lowered;
	[smem:$0x3FD2] =	sst s25  }
0xac: {  	s7 =	sshll.u32 s26, $0x1;
	_ =	strace $0x80000046;
	[dreg:$0x1] =	wrdreg $0xFFFFFFFF  }
0xad: {  	s28 =	simm.s32 $_size_execute0_lowered;
	s5 =	sadd.s32 s5, s7;
	[dreg:$0x0] =	wrdreg $0x0  }
0xae: {  	s7 =	sshll.u32 s28, $0x1;
	[dreg:$0x2] =	wrdreg s5  }
0xaf: {  	[dreg:$0x3] =	wrdreg s7  }
0xb0: {  	[dreg:$0x4] =	wrdreg $0xC0  }
0xb1: {  	_ =	task [dreg:s9], $0x5FFFF  }
0xb2: {  	[dreg:$0x1] =	wrdreg $0xFFFFFFFF  }
0xb3: {  	[dreg:$0x0] =	wrdreg $0x60  }
0xb4: {  	[dreg:$0x2] =	wrdreg s24  }
0xb5: {  	[dreg:$0x3] =	wrdreg s15  }
0xb6: {  	[dreg:$0x4] =	wrdreg s16  }
0xb7: {  	[dreg:$0x5] =	wrdreg s17  }
0xb8: {  	[dreg:$0x6] =	wrdreg $0x9  }
0xb9: {  	_ =	task.clear_ibuf [dreg:s9], $0x7FFFF;
	_ =	strace $0x90000046  }
0xba: {  	s29 =	simm.s32 $0x9;
	_ =	strace $0x80000048  }
0xbb: {  	_ =	swait.ge [sflag:s29], $0x1  }
0xbc: {  	[sflag:s29] =	ssyncadd.s32 $0xFFFFFFFF  }
0xbd: {  	_ =	strace $0x90000048  }
0xbe: {  	_ =	sfence  }
0xbf: {  	s30 =	sld [smem:$0x0];
	_ =	sdelay $0x2  }
0xc0: {  	s31 =	sshll.u32 s1, $0xD;
	s1 =	sshrl.u32 s1, $0x2  }
0xc1: {  	s3 =	sand.u32 $0x4000, s31;
	s1 =	sadd.s32 s1, s30  }
0xc2: {  	s0 =	sor.u32 s3, s0;
	s1 =	sshll.u32 s1, $0x11  }
0xc3: {  	s0 =	sor.u32 s1, s0  }
0xc4: {  	s0 =	sadd.s32 $0x8F2B, s0  }
0xc5: {  	[sflag:s0] =	ssyncadd.remote.s32 $0x1  }
0xc6: {  	_ =	sfence.sel $0xFFFF  }
0xc7: {  	[dreg:$0x0] =	wrdreg $0xFFFFFFFF;
	(pc) =	sbr.abs _section_cstart, $3  }
0xc8: {  	[dreg:$0x1] =	wrdreg $0xFFFFFFFF  }
0xc9: {  	_ =	task.clear_ibuf [dreg:s9], $0x2FFFF;
	_ =	strace $0x9FFFFFFF  }
0xca: {  	(tm) =	ssettm $0x7FFFFFFF  }
0xcb: {  	_ =	shalt  }
tec
execute0_lowered:
.L_overlay_start_1:
0x0: {  	(tag) =	ssettag $0x1  }
0x1: {  	s0 =	rddreg [dreg:$0x0]  }
0x2: {  	s6 =	rddreg [dreg:$0x1]  }
0x3: {  	s1 =	srdreg.scid;
	s2 =	rddreg [dreg:$0x2]  }
0x4: {  	s3 =	stileid.u32;
	s7 =	rddreg [dreg:$0x3];
	s10 =	simm.s32 $0x9  }
0x5: {  	s12 =	simm.s32 $0x80;
	s13 =	simm.s32 $0x8490;
	s14 =	simm.s32 $0x48  }
0x6: {  	s17 =	simm.s32 $0xB690;
	s21 =	simm.s32 $0xE890;
	s28 =	simm.s32 $0x13A90  }
0x7: {  	s29 =	simm.s32 $0x1;
	s30 =	simm.s32 $0x5;
	s31 =	simm.s32 $0x2  }
0x8: {  	s11 =	simm.s32 $0x7;
	s15 =	simm.s32 $0x4;
	s1 =	sand.u32 $0x1, s1  }
0x9: {  	s16 =	simm.s32 $0x8;
	s3 =	sshll.u32 s3, $0x8;
	s4 =	sshll.u32 s1, $0x7  }
0xa: {  	s19 =	simm.s32 $0x0;
	s1 =	ssub.s32 $0x2, s1;
	s3 =	sor.u32 s4, s3  }
0xb: {  	s4 =	simm.s32 $0x0;
	s9 =	sshrl.u32 s1, $0x1;
	s5 =	smul.u32 $0x19, s3  }
0xc: {  	[smem:$0x7FF] =	sst s4;
	s24 =	ssub.s32 s1, s9;
	s25 =	sshrl.u32 s3, $0x3  }
.Ltmp0:
0xd: {  	s26 =	sshll.u32 s3, $0x3;
	_ =	strace $0x80000047;
	(pc) =	sbr.rel .LBB2_1-.Ltmp0, $4  }
0xe: {  	s1 =	sadd.s32 s6, s25;
	s9 =	smax.u32 s24, $0x1;
	s25 =	simm.s32 $0x11A90  }
0xf: {  	s8 =	sadd.s32 s5, s0;
	[dreg:$0x6] =	wrdreg s1;
	s1 =	sadd.s32 s7, s26  }
0x10: {  	s5 =	sadd.s32 $0xF43400, s0;
	s8 =	sadd.s32 $0x1000, s8;
	[dreg:$0x7] =	wrdreg s1  }
0x11: {  	s0 =	simm.s32 $0x3;
	s1 =	simm.s32 $0x6;
	[dreg:$0x5] =	wrdreg s8  }
.LBB2_22:
0x12: {  	s19 =	sadd.s32 $0x1, s19  }
0x13: {  	p0 =	sne.s32 s19, s9  }
.Ltmp1:
0x14: {  	s6 =	rddreg [dreg:$0x7];
	s7 =	simm.s32 $0x6400;
	(pc) =	sbr.rel @!p0 .LBB2_23-.Ltmp1, $4  }
0x15: {  	[hbm4b:s6+s4] =	stream.linear.scatter [tilespmem:s7], [sflag:$0x9], $0x2000, $0x38;
	[tilespmem:$0x14C90] =	vst v63  }
0x16: {  	_ =	swait.ge [sflag:s10], $0x2000  }
0x17: {  	[sflag:s10] =	ssyncset.done $0x0  }
0x18: {  	[sflag:s10] =	ssyncadd.s32 $0xFFFFE000  }
.LBB2_1:
0x19: {  	s6 =	rddreg [dreg:$0x5]  }
0x1a: {  	[tilespmem:s4], [sflag:$0x9] =	stream.linear.gather [hbm4b:s6+s4], $0x6400, $0x38;
	[tilespmem:$0x14C90] =	vst v63  }
0x1b: {  	_ =	swait.ge [sflag:s10], $0x6400  }
0x1c: {  	[sflag:s10] =	ssyncset.done $0x0  }
0x1d: {  	s7 =	simm.s32 $0x8400;
	s24 =	rddreg [dreg:$0x6];
	[sflag:s10] =	ssyncadd.s32 $0xFFFF9C00  }
0x1e: {  	[tilespmem:s7], [sflag:$0x9] =	stream.linear.gather [hbm4b:s24+s4], $0x80, $0x38;
	[tilespmem:$0x14C90] =	vst v63  }
0x1f: {  	_ =	swait.ge [sflag:s10], $0x80  }
0x20: {  	[sflag:s10] =	ssyncset.done $0x0  }
0x21: {  	[sflag:s10] =	ssyncadd.s32 $0xFFFFFF80  }
0x22: {  	[tilespmem:s13], [sflag:$0x1] =	stream.indirect.gather [hbm4b:s5+s12], $0x40, s4, s12, $0xb8;
	[tilespmem:$0x14C90] =	vst v63  }
0x23: {  	s26 =	simm.s32 $0xA490  }
0x24: {  	[tilespmem:s26], [sflag:$0x1] =	stream.indirect.gather [hbm4b:s5+s14], $0x40, s12, s14, $0xb8;
	[tilespmem:$0x14C90] =	vst v63  }
0x25: {  	s7 =	simm.s32 $0xC8  }
0x26: {  	[tilespmem:s17], [sflag:$0x2] =	stream.indirect.gather [hbm4b:s5+s12], $0x40, s7, s12, $0xb8;
	[tilespmem:$0x14C90] =	vst v63  }
0x27: {  	s8 =	simm.s32 $0x148;
	s18 =	simm.s32 $0xD690  }
0x28: {  	[tilespmem:s18], [sflag:$0x2] =	stream.indirect.gather [hbm4b:s5+s14], $0x40, s8, s14, $0xb8;
	[tilespmem:$0x14C90] =	vst v63  }
0x29: {  	s20 =	simm.s32 $0x190  }
0x2a: {  	[tilespmem:s21], [sflag:$0x3] =	stream.indirect.gather [hbm4b:s5+s12], $0x40, s20, s12, $0xb8;
	[tilespmem:$0x14C90] =	vst v63  }
0x2b: {  	s22 =	simm.s32 $0x210;
	s23 =	simm.s32 $0x10890  }
0x2c: {  	[tilespmem:s23], [sflag:$0x3] =	stream.indirect.gather [hbm4b:s5+s14], $0x40, s22, s14, $0xb8;
	[tilespmem:$0x14C90] =	vst v63  }
0x2d: {  	s24 =	simm.s32 $0x258  }
0x2e: {  	[tilespmem:s25], [sflag:$0x4] =	stream.indirect.gather [hbm4b:s5+s12], $0x40, s24, s12, $0xb8;
	[tilespmem:$0x14C90] =	vst v63  }
0x2f: {  	s26 =	simm.s32 $0x2D8;
	s20 =	simm.s32 $0x0  }
0x30: {  	[tilespmem:s28], [sflag:$0x4] =	stream.indirect.gather [hbm4b:s5+s14], $0x40, s26, s14, $0xb8;
	[tilespmem:$0x14C90] =	vst v63  }
.LBB2_2:
0x31: {  	_ =	swait.ge [sflag:s29], $0x2000  }
0x32: {  	s22 =	sshll.u32 s20, $0x2;
	[sflag:s29] =	ssyncset.done $0x0  }
0x33: {  	s6 =	sadd.s32 s3, s22;
	[sflag:s29] =	ssyncadd.s32 $0xFFFFE000  }
0x34: {  	s6 =	smul.u32 $0x640, s6;
	_ =	swait.ge [sflag:s29], $0x1200  }
0x35: {  	[sflag:s29] =	ssyncset.done $0x0  }
0x36: {  	s6 =	sadd.s32 s2, s6;
	[sflag:s29] =	ssyncadd.s32 $0xFFFFEE00  }
0x37: {  	[hbm4b:s6+s4] =	stream.linear.scatter [tilespmem:s13], [sflag:$0x5], $0x3200, $0x38;
	[tilespmem:$0x14C90] =	vst v63  }
0x38: {  	v0 =	vld [tilespmem:s22+$0x8400];
	_ =	sdelay $0x4  }
0x39: {  	(v2sf) =	vpush v0, $0x0;
	_ =	sdelay $0xe  }
0x3a: {  	s18 =	spop (v2sf)  }
0x3b: {  	p0 =	slt.s32 s18, $0x1  }
.Ltmp2:
0x3c: {  	_ = 	snop;
	(pc) =	sbr.rel @p0 .LBB2_6-.Ltmp2, $3  }
0x3d: {  	_ =	sdelay $0x1  }
0x3e: {  	v4 =	vimm.f32 $0.0e+00;
	v2 =	vimm.f32 $0.0e+00  }
0x3f: {  	s7 =	simm.s32 $0x84B0;
	v3 =	vimm.f32 $0.0e+00;
	v1 =	vimm.f32 $0.0e+00;
	v0 =	vimm.f32 $0.0e+00  }
0x40: {  	v1 =	vld [tilespmem:s7+$0x10];
	p0 =	sne.s32 s18, $0x1  }
.Ltmp3:
0x41: {  	v2 =	vld [tilespmem:s7+$0xFFFFFFF0];
	(pc) =	sbr.rel @!p0 .LBB2_5-.Ltmp3, $4  }
0x42: {  	v3 =	vld [tilespmem:s7+$0x0]  }
0x43: {  	v4 =	vld [tilespmem:s7+$0xFFFFFFE0]  }
0x44: {  	v5 =	vimm.f32 $0.0e+00  }
0x45: {  	s6 =	sadd.s32 $0xFFFFFFFF, s18;
	s7 =	sadd.s32 $0x40, s7;
	v6 =	vimm.f32 $0.0e+00;
	v7 =	vimm.f32 $0.0e+00;
	v1 =	vadd.f32 v1, v0  }
.LBB2_4:
0x46: {  	v8 =	vld [tilespmem:s7+$0x10];
	p0 =	sne.s32 s6, $0x1;
	s6 =	sadd.s32 $0xFFFFFFFF, s6;
	v5 =	vadd.f32 v2, v5  }
.Ltmp4:
0x47: {  	v2 =	vld [tilespmem:s7+$0xFFFFFFF0];
	v6 =	vadd.f32 v3, v6;
	(pc) =	sbr.rel @p0 .LBB2_4-.Ltmp4, $3  }
0x48: {  	v3 =	vld [tilespmem:s7+$0x0];
	v7 =	vadd.f32 v4, v7  }
0x49: {  	v4 =	vld [tilespmem:s7+$0xFFFFFFE0];
	_ =	sdelay $0x1  }
0x4a: {  	s7 =	sadd.s32 $0x40, s7;
	v1 =	vadd.f32 v8, v1  }
.LBB2_5:
0x4b: {  	_ = 	snop  }
0x4c: {  	v2 =	vadd.f32 v2, v5  }
0x4d: {  	v3 =	vadd.f32 v3, v6;
	v4 =	vadd.f32 v4, v7  }
.LBB2_6:
0x4e: {  	s6 =	scvt.s32.f32 s18;
	_ =	sdelay $0x1  }
0x4f: {  	v5 =	vmov s6  }
0x50: {  	(erf) = vrcp.f32 v5;
	_ =	sdelay $0x8  }
0x51: {  	v5 =	vpop (erf)  }
0x52: {  	s7 =	sshll.u32 s20, $0x8;
	v4 =	vmul.f32 v4, v5  }
0x53: {  	s6 =	sand.u32 $0x3FFFFF00, s7;
	v2 =	vmul.f32 v2, v5  }
0x54: {  	v3 =	vmul.f32 v3, v5;
	[tilespmem:s6+$0x6400] =	vst v4  }
0x55: {  	v1 =	vmul.f32 v1, v5;
	[tilespmem:s6+$0x6410] =	vst v2  }
0x56: {  	p0 =	seq.s32 s20, $0x1F;
	[tilespmem:s6+$0x6420] =	vst v3  }
0x57: {  	[tilespmem:s6+$0x6430] =	vst v1;
	s6 =	smul.u32 @!p0 $0xC80, s20  }
0x58: {  	_ =	swait.ge [sflag:s30], $0x3200  }
0x59: {  	s24 =	simm.s32 @!p0 $0x80;
	[sflag:s30] =	ssyncset.done $0x0;
	s23 =	sshra.s32 @!p0 s6, $0x2  }
0x5a: {  	s7 =	simm.s32 @!p0 $0x8490;
	[sflag:s30] =	ssyncadd.s32 $0xFFFFCE00;
	s6 =	sadd.s32 @!p0 $0x320, s23  }
0x5b: {  	[tilespmem:s7], [sflag:$0x1] =	stream.indirect.gather @!p0 [hbm4b:s5+s24], $0x40, s6, s24, $0xb8;
	[tilespmem:$0x14C90] =	vst v63  }
0x5c: {  	s26 =	simm.s32 @!p0 $0x48;
	s6 =	sadd.s32 @!p0 $0x3A0, s23;
	s7 =	simm.s32 @!p0 $0xA490  }
0x5d: {  	[tilespmem:s7], [sflag:$0x1] =	stream.indirect.gather @!p0 [hbm4b:s5+s26], $0x40, s6, s26, $0xb8;
	[tilespmem:$0x14C90] =	vst v63  }
0x5e: {  	_ =	swait.ge [sflag:s31], $0x2000  }
0x5f: {  	s18 =	sor.u32 $0x1, s22;
	[sflag:s31] =	ssyncset.done $0x0  }
0x60: {  	s8 =	sadd.s32 s3, s18;
	[sflag:s31] =	ssyncadd.s32 $0xFFFFE000  }
0x61: {  	s6 =	smul.u32 $0x640, s8;
	_ =	swait.ge [sflag:s31], $0x1200  }
0x62: {  	[sflag:s31] =	ssyncset.done $0x0  }
0x63: {  	s6 =	sadd.s32 s2, s6;
	[sflag:s31] =	ssyncadd.s32 $0xFFFFEE00  }
0x64: {  	[hbm4b:s6+s4] =	stream.linear.scatter [tilespmem:s17], [sflag:$0x6], $0x3200, $0x38;
	[tilespmem:$0x14C90] =	vst v63  }
0x65: {  	v1 =	vld [tilespmem:s22+$0x8401];
	_ =	sdelay $0x4  }
0x66: {  	(v2sf) =	vpush v1, $0x0;
	_ =	sdelay $0xe  }
0x67: {  	s6 =	spop (v2sf)  }
0x68: {  	p1 =	slt.s32 s6, $0x1  }
.Ltmp5:
0x69: {  	_ = 	snop;
	(pc) =	sbr.rel @p1 .LBB2_7-.Ltmp5, $2  }
0x6a: {  	_ =	sdelay $0x2  }
0x6b: {  	s8 =	simm.s32 $0xB6B0  }
0x6c: {  	v1 =	vld [tilespmem:s8+$0x10];
	p1 =	sne.s32 s6, $0x1  }
.Ltmp6:
0x6d: {  	v2 =	vld [tilespmem:s8+$0xFFFFFFF0];
	(pc) =	sbr.rel @!p1 .LBB2_10-.Ltmp6, $3  }
0x6e: {  	v3 =	vld [tilespmem:s8+$0x0]  }
0x6f: {  	v4 =	vld [tilespmem:s8+$0xFFFFFFE0];
	_ =	sdelay $0x1  }
0x70: {  	s7 =	sadd.s32 $0xFFFFFFFF, s6;
	s8 =	sadd.s32 $0x40, s8;
	v5 =	vimm.f32 $0.0e+00;
	v6 =	vimm.f32 $0.0e+00;
	v1 =	vadd.f32 v1, v0  }
.LBB2_9:
0x71: {  	v7 =	vld [tilespmem:s8+$0x10];
	p1 =	sne.s32 s7, $0x1;
	s7 =	sadd.s32 $0xFFFFFFFF, s7;
	v0 =	vadd.f32 v2, v0  }
.Ltmp7:
0x72: {  	v2 =	vld [tilespmem:s8+$0xFFFFFFF0];
	v5 =	vadd.f32 v3, v5;
	(pc) =	sbr.rel @p1 .LBB2_9-.Ltmp7, $3  }
0x73: {  	v3 =	vld [tilespmem:s8+$0x0];
	v6 =	vadd.f32 v4, v6  }
0x74: {  	v4 =	vld [tilespmem:s8+$0xFFFFFFE0];
	_ =	sdelay $0x1  }
0x75: {  	s8 =	sadd.s32 $0x40, s8;
	v1 =	vadd.f32 v7, v1  }
.LBB2_10:
.Ltmp8:
0x76: {  	(pc) =	sbr.rel .LBB2_11-.Ltmp8, $3  }
0x77: {  	_ =	sdelay $0x1  }
0x78: {  	v2 =	vadd.f32 v2, v0  }
0x79: {  	v3 =	vadd.f32 v3, v5;
	v0 =	vadd.f32 v4, v6  }
.LBB2_7:
0x7a: {  	v2 =	vimm.f32 $0.0e+00;
	v3 =	vimm.f32 $0.0e+00;
	v1 =	vimm.f32 $0.0e+00  }
.LBB2_11:
0x7b: {  	s6 =	scvt.s32.f32 s6;
	_ =	sdelay $0x1  }
0x7c: {  	v4 =	vmov s6  }
0x7d: {  	(erf) = vrcp.f32 v4;
	_ =	sdelay $0x8  }
0x7e: {  	v4 =	vpop (erf)  }
0x7f: {  	s18 =	sshll.u32 s18, $0x6;
	v0 =	vmul.f32 v0, v4  }
0x80: {  	s6 =	sand.u32 $0x3FFFFFC0, s18;
	v2 =	vmul.f32 v2, v4  }
0x81: {  	v1 =	vmul.f32 v1, v4;
	[tilespmem:s6+$0x6400] =	vst v0  }
0x82: {  	v0 =	vmul.f32 v3, v4;
	[tilespmem:s6+$0x6410] =	vst v2  }
0x83: {  	[tilespmem:s6+$0x6430] =	vst v1  }
0x84: {  	[tilespmem:s6+$0x6420] =	vst v0  }
0x85: {  	_ =	swait.ge [sflag:s1], $0x3200  }
0x86: {  	[sflag:s1] =	ssyncset.done $0x0  }
0x87: {  	s7 =	simm.s32 @!p0 $0xB690;
	s6 =	sadd.s32 @!p0 $0x3E8, s23;
	[sflag:s1] =	ssyncadd.s32 $0xFFFFCE00  }
0x88: {  	[tilespmem:s7], [sflag:$0x2] =	stream.indirect.gather @!p0 [hbm4b:s5+s24], $0x40, s6, s24, $0xb8;
	[tilespmem:$0x14C90] =	vst v63  }
0x89: {  	s6 =	sadd.s32 @!p0 $0x468, s23;
	s7 =	simm.s32 @!p0 $0xD690  }
0x8a: {  	[tilespmem:s7], [sflag:$0x2] =	stream.indirect.gather @!p0 [hbm4b:s5+s26], $0x40, s6, s26, $0xb8;
	[tilespmem:$0x14C90] =	vst v63  }
0x8b: {  	_ =	swait.ge [sflag:s0], $0x2000  }
0x8c: {  	s24 =	sor.u32 $0x2, s22;
	[sflag:s0] =	ssyncset.done $0x0  }
0x8d: {  	s26 =	sadd.s32 s3, s24;
	[sflag:s0] =	ssyncadd.s32 $0xFFFFE000  }
0x8e: {  	s6 =	smul.u32 $0x640, s26;
	_ =	swait.ge [sflag:s0], $0x1200  }
0x8f: {  	[sflag:s0] =	ssyncset.done $0x0  }
0x90: {  	s6 =	sadd.s32 s2, s6;
	[sflag:s0] =	ssyncadd.s32 $0xFFFFEE00  }
0x91: {  	[hbm4b:s6+s4] =	stream.linear.scatter [tilespmem:s21], [sflag:$0x7], $0x3200, $0x38;
	[tilespmem:$0x14C90] =	vst v63  }
0x92: {  	v0 =	vld [tilespmem:s22+$0x8402];
	_ =	sdelay $0x4  }
0x93: {  	(v2sf) =	vpush v0, $0x0;
	_ =	sdelay $0xe  }
0x94: {  	s18 =	spop (v2sf)  }
0x95: {  	p1 =	slt.s32 s18, $0x1  }
.Ltmp9:
0x96: {  	_ = 	snop;
	(pc) =	sbr.rel @p1 .LBB2_15-.Ltmp9, $3  }
0x97: {  	_ =	sdelay $0x1  }
0x98: {  	v4 =	vimm.f32 $0.0e+00;
	v2 =	vimm.f32 $0.0e+00  }
0x99: {  	v3 =	vimm.f32 $0.0e+00;
	v1 =	vimm.f32 $0.0e+00;
	s7 =	simm.s32 $0xE8B0;
	v0 =	vimm.f32 $0.0e+00  }
0x9a: {  	v1 =	vld [tilespmem:s7+$0x10];
	p1 =	sne.s32 s18, $0x1  }
.Ltmp10:
0x9b: {  	v2 =	vld [tilespmem:s7+$0xFFFFFFF0];
	(pc) =	sbr.rel @!p1 .LBB2_14-.Ltmp10, $4  }
0x9c: {  	v3 =	vld [tilespmem:s7+$0x0]  }
0x9d: {  	v4 =	vld [tilespmem:s7+$0xFFFFFFE0]  }
0x9e: {  	v5 =	vimm.f32 $0.0e+00  }
0x9f: {  	s6 =	sadd.s32 $0xFFFFFFFF, s18;
	s7 =	sadd.s32 $0x40, s7;
	v6 =	vimm.f32 $0.0e+00;
	v7 =	vimm.f32 $0.0e+00;
	v1 =	vadd.f32 v1, v0  }
.LBB2_13:
0xa0: {  	v8 =	vld [tilespmem:s7+$0x10];
	p1 =	sne.s32 s6, $0x1;
	s6 =	sadd.s32 $0xFFFFFFFF, s6;
	v5 =	vadd.f32 v2, v5  }
.Ltmp11:
0xa1: {  	v2 =	vld [tilespmem:s7+$0xFFFFFFF0];
	v6 =	vadd.f32 v3, v6;
	(pc) =	sbr.rel @p1 .LBB2_13-.Ltmp11, $3  }
0xa2: {  	v3 =	vld [tilespmem:s7+$0x0];
	v7 =	vadd.f32 v4, v7  }
0xa3: {  	v4 =	vld [tilespmem:s7+$0xFFFFFFE0];
	_ =	sdelay $0x1  }
0xa4: {  	s7 =	sadd.s32 $0x40, s7;
	v1 =	vadd.f32 v8, v1  }
.LBB2_14:
0xa5: {  	_ = 	snop  }
0xa6: {  	v2 =	vadd.f32 v2, v5  }
0xa7: {  	v3 =	vadd.f32 v3, v6;
	v4 =	vadd.f32 v4, v7  }
.LBB2_15:
0xa8: {  	s6 =	scvt.s32.f32 s18;
	_ =	sdelay $0x1  }
0xa9: {  	v5 =	vmov s6  }
0xaa: {  	(erf) = vrcp.f32 v5;
	_ =	sdelay $0x8  }
0xab: {  	v5 =	vpop (erf)  }
0xac: {  	s24 =	sshll.u32 s24, $0x6;
	v4 =	vmul.f32 v4, v5  }
0xad: {  	s6 =	sand.u32 $0x3FFFFFC0, s24;
	v2 =	vmul.f32 v2, v5  }
0xae: {  	v3 =	vmul.f32 v3, v5;
	[tilespmem:s6+$0x6400] =	vst v4  }
0xaf: {  	v1 =	vmul.f32 v1, v5;
	[tilespmem:s6+$0x6410] =	vst v2  }
0xb0: {  	[tilespmem:s6+$0x6420] =	vst v3  }
0xb1: {  	[tilespmem:s6+$0x6430] =	vst v1  }
0xb2: {  	_ =	swait.ge [sflag:s11], $0x3200  }
0xb3: {  	s7 =	simm.s32 @!p0 $0x80;
	[sflag:s11] =	ssyncset.done $0x0  }
0xb4: {  	s8 =	simm.s32 @!p0 $0xE890;
	s6 =	sadd.s32 @!p0 $0x4B0, s23;
	[sflag:s11] =	ssyncadd.s32 $0xFFFFCE00  }
0xb5: {  	[tilespmem:s8], [sflag:$0x3] =	stream.indirect.gather @!p0 [hbm4b:s5+s7], $0x40, s6, s7, $0xb8;
	[tilespmem:$0x14C90] =	vst v63  }
0xb6: {  	s6 =	sadd.s32 @!p0 $0x530, s23;
	s7 =	simm.s32 @!p0 $0x48;
	s8 =	simm.s32 @!p0 $0x10890  }
0xb7: {  	[tilespmem:s8], [sflag:$0x3] =	stream.indirect.gather @!p0 [hbm4b:s5+s7], $0x40, s6, s7, $0xb8;
	[tilespmem:$0x14C90] =	vst v63  }
0xb8: {  	_ =	swait.ge [sflag:s15], $0x2000  }
0xb9: {  	s18 =	sor.u32 $0x3, s22;
	[sflag:s15] =	ssyncset.done $0x0  }
0xba: {  	s26 =	sadd.s32 s3, s18;
	[sflag:s15] =	ssyncadd.s32 $0xFFFFE000  }
0xbb: {  	s6 =	smul.u32 $0x640, s26;
	_ =	swait.ge [sflag:s15], $0x1200  }
0xbc: {  	[sflag:s15] =	ssyncset.done $0x0  }
0xbd: {  	s6 =	sadd.s32 s2, s6;
	[sflag:s15] =	ssyncadd.s32 $0xFFFFEE00  }
0xbe: {  	[hbm4b:s6+s4] =	stream.linear.scatter [tilespmem:s25], [sflag:$0x8], $0x3200, $0x38;
	[tilespmem:$0x14C90] =	vst v63  }
0xbf: {  	v1 =	vld [tilespmem:s22+$0x8403];
	_ =	sdelay $0x4  }
0xc0: {  	(v2sf) =	vpush v1, $0x0;
	_ =	sdelay $0xe  }
0xc1: {  	s6 =	spop (v2sf)  }
0xc2: {  	p1 =	slt.s32 s6, $0x1  }
.Ltmp12:
0xc3: {  	_ = 	snop;
	(pc) =	sbr.rel @p1 .LBB2_16-.Ltmp12, $2  }
0xc4: {  	_ =	sdelay $0x2  }
0xc5: {  	s8 =	simm.s32 $0x11AB0  }
0xc6: {  	v1 =	vld [tilespmem:s8+$0x10];
	p1 =	sne.s32 s6, $0x1  }
.Ltmp13:
0xc7: {  	v2 =	vld [tilespmem:s8+$0xFFFFFFF0];
	(pc) =	sbr.rel @!p1 .LBB2_19-.Ltmp13, $3  }
0xc8: {  	v3 =	vld [tilespmem:s8+$0x0]  }
0xc9: {  	v4 =	vld [tilespmem:s8+$0xFFFFFFE0];
	_ =	sdelay $0x1  }
0xca: {  	s7 =	sadd.s32 $0xFFFFFFFF, s6;
	s8 =	sadd.s32 $0x40, s8;
	v5 =	vimm.f32 $0.0e+00;
	v6 =	vimm.f32 $0.0e+00;
	v1 =	vadd.f32 v1, v0  }
.LBB2_18:
0xcb: {  	v7 =	vld [tilespmem:s8+$0x10];
	p1 =	sne.s32 s7, $0x1;
	s7 =	sadd.s32 $0xFFFFFFFF, s7;
	v0 =	vadd.f32 v2, v0  }
.Ltmp14:
0xcc: {  	v2 =	vld [tilespmem:s8+$0xFFFFFFF0];
	v5 =	vadd.f32 v3, v5;
	(pc) =	sbr.rel @p1 .LBB2_18-.Ltmp14, $3  }
0xcd: {  	v3 =	vld [tilespmem:s8+$0x0];
	v6 =	vadd.f32 v4, v6  }
0xce: {  	v4 =	vld [tilespmem:s8+$0xFFFFFFE0];
	_ =	sdelay $0x1  }
0xcf: {  	s8 =	sadd.s32 $0x40, s8;
	v1 =	vadd.f32 v7, v1  }
.LBB2_19:
.Ltmp15:
0xd0: {  	(pc) =	sbr.rel .LBB2_20-.Ltmp15, $3  }
0xd1: {  	_ =	sdelay $0x1  }
0xd2: {  	v2 =	vadd.f32 v2, v0  }
0xd3: {  	v3 =	vadd.f32 v3, v5;
	v0 =	vadd.f32 v4, v6  }
.LBB2_16:
0xd4: {  	v2 =	vimm.f32 $0.0e+00;
	v3 =	vimm.f32 $0.0e+00;
	v1 =	vimm.f32 $0.0e+00  }
.LBB2_20:
0xd5: {  	s6 =	scvt.s32.f32 s6;
	_ =	sdelay $0x1  }
0xd6: {  	v4 =	vmov s6  }
0xd7: {  	(erf) = vrcp.f32 v4;
	_ =	sdelay $0x8  }
0xd8: {  	v4 =	vpop (erf)  }
0xd9: {  	s26 =	sshll.u32 s18, $0x6;
	v0 =	vmul.f32 v0, v4  }
0xda: {  	s6 =	sand.u32 $0x3FFFFFC0, s26;
	v2 =	vmul.f32 v2, v4  }
0xdb: {  	v63 =	vmul.f32 v3, v4;
	[tilespmem:s6+$0x6400] =	vst v0  }
0xdc: {  	v1 =	vmul.f32 v1, v4;
	[tilespmem:s6+$0x6410] =	vst v2  }
.Ltmp16:
0xdd: {  	[tilespmem:s6+$0x6420] =	vst v63;
	(pc) =	sbr.rel @p0 .LBB2_22-.Ltmp16, $4  }
0xde: {  	[tilespmem:s6+$0x6430] =	vst v1  }
0xdf: {  	_ =	swait.ge [sflag:s16], $0x3200  }
0xe0: {  	[sflag:s16] =	ssyncset.done $0x0  }
0xe1: {  	[sflag:s16] =	ssyncadd.s32 $0xFFFFCE00  }
0xe2: {  	s6 =	smul.u32 $0xC80, s20;
	_ =	sdelay $0x1  }
.Ltmp17:
0xe3: {  	s6 =	sshra.s32 s6, $0x2;
	(pc) =	sbr.rel .LBB2_2-.Ltmp17, $4  }
0xe4: {  	s7 =	sadd.s32 $0x578, s6  }
0xe5: {  	[tilespmem:s25], [sflag:$0x4] =	stream.indirect.gather [hbm4b:s5+s12], $0x40, s7, s12, $0xb8;
	[tilespmem:$0x14C90] =	vst v63  }
0xe6: {  	s20 =	sadd.s32 $0x1, s20;
	s6 =	sadd.s32 $0x5F8, s6  }
0xe7: {  	[tilespmem:s28], [sflag:$0x4] =	stream.indirect.gather [hbm4b:s5+s14], $0x40, s6, s14, $0xb8;
	[tilespmem:$0x14C90] =	vst v63  }
.LBB2_23:
0xe8: {  	_ =	sfence.sel $0x180000  }
0xe9: {  	[bflag:$0x0] =	sbarrier.arrive $0xFFFF  }
0xea: {  	_ =	strace $0x90000047  }
0xeb: {  	s0 =	stileid.u32;
	[bflag:$0x2] =	sbarrier.arrive $0xFFFF  }
0xec: {  	p0 =	sne.s32 s0, $0x0;
	s0 =	rddreg [dreg:$0x4]  }
0xed: {  	s0 =	sadd.s32 @!p0 $0x100000, s0  }
0xee: {  	[sflag:s0] =	ssyncadd.tile.s32 @!p0 $0x1;
	_ =	shalt  }
.Lfunc_end2:
_tile_overlayer_lowered:
.L_overlay_start_2:
0xef: {  	(tag) =	ssettag $0x2  }
0xf0: {  	s0 =	rddreg [dreg:$0x0];
	s2 =	stileid.u32  }
0xf1: {  	s1 =	rddreg [dreg:$0x1];
	p0 =	sne.s32 s2, $0x0  }
0xf2: {  	s3 =	rddreg [dreg:$0x2];
	[bflag:$0x3] =	sbarrier.arrive $0xFFFF;
	s2 =	simm.s32 @!p0 $0x1C09  }
0xf3: {  	[timem:s3], [sflag:s2] =	dma.local @!p0 [hbm:s0], s1  }
0xf4: {  	s0 =	simm.s32 @!p0 $0x9  }
0xf5: {  	_ =	swait.ge @!p0 [sflag:s0], s1  }
0xf6: {  	s1 =	ssub.s32 @!p0 $0x0, s1;
	[sflag:s0] =	ssyncset.done @!p0 $0x0  }
0xf7: {  	[sflag:s0] =	ssyncadd.s32 @!p0 s1  }
0xf8: {  	[bflag:$0x3] =	sbarrier.arrive $0xFFFF  }
0xf9: {  	_ =	shalt  }

// kernel: sparse-core-data-format-call.cloned.1.call-start
scs
called_computation_lowered:
.L_overlay_start_0:
0x0: {  	s2 =	sld [smem:$0x3FD9]  }
0x1: {  	s3 =	sld [smem:$0x3FFE];
	_ =	sdelay $0x1  }
0x2: {  	s1 =	srdreg.scid  }
0x3: {  	s0 =	sand.u32 $0x1, s1  }
0x4: {  	s15 =	sshll.u32 s0, $0xA;
	s2 =	sadd.s32 s3, s2  }
0x5: {  	s2 =	sadd.s32 s2, s15  }
0x6: {  	[smem:$0x3FC5] =	sst s2  }
0x7: {  	_ = 	snop  }
0x8: {  	s2 =	sld [smem:$0x3FD0];
	_ =	sdelay $0x2  }
0x9: {  	s16 =	simm.s32 $0xA;
	s4 =	simm.s32 $0x10  }
0xa: {  	[smem:s4], [sflag:s16] =	dma.local [hbm:s2], $0x1  }
0xb: {  	_ =	swait.eq [sflag:s16], $0x1  }
0xc: {  	[sflag:s16] =	ssyncset.done $0x0  }
0xd: {  	[sflag:s16] =	ssyncadd.s32 $0xFFFFFFFF  }
0xe: {  	s17 =	sld [smem:$0x10];
	(tm) =	ssettm $0x1  }
0xf: {  	s18 =	sld [smem:$0x3FFB];
	_ =	sdelay $0x3  }
0x10: {  	_ =	strace s18  }
0x11: {  	s3 =	sld [smem:$0x3FFC];
	_ =	sdelay $0x3  }
0x12: {  	_ =	strace s3  }
0x13: {  	s3 =	sld [smem:$0x3FFD];
	_ =	sdelay $0x3  }
0x14: {  	_ =	strace s3  }
0x15: {  	_ =	strace $0x8FFFFFFF  }
0x16: {  	s19 =	sld [smem:$0x3FDB];
	_ =	sdelay $0x1  }
0x17: {  	s20 =	simm.s32 $_scs_section_size  }
0x18: {  	s5 =	simm.s32 $_size__tile_overlayer_lowered;
	s6 =	simm.s32 $_tile_overlayer_lowered  }
0x19: {  	s23 =	simm.s32 $0x1BFF;
	s22 =	sshll.u32 s6, $0x1;
	s3 =	sadd.s32 s20, s19  }
0x1a: {  	s7 =	simm.s32 $0x0;
	s21 =	sshll.u32 s5, $0x1;
	s5 =	sadd.s32 s22, s3  }
0x1b: {  	[timem:s7], [sflag:s23] =	dma.local [hbm:s5], s21  }
0x1c: {  	_ =	swait.ge [sflag:s23], s21  }
0x1d: {  	s4 =	ssub.s32 $0x0, s21;
	[sflag:s23] =	ssyncset.done $0x0  }
0x1e: {  	[sflag:s23] =	ssyncadd.s32 s4;
	_ =	sdelay $0x1  }
0x1f: {  	s24 =	simm.s32 $0x1B8B  }
0x20: {  	_ =	swait.ge [sflag:s24], $0x1  }
0x21: {  	[sflag:s24] =	ssyncset.done $0x0  }
0x22: {  	s26 =	simm.s32 $0x1B8E;
	s25 =	sld [smem:$0x3FFE];
	[sflag:s24] =	ssyncadd.s32 $0xFFFFFFFF  }
0x23: {  	s27 =	simm.s32 $execute0_lowered;
	[smem:$0x3FD2] =	sst s26  }
0x24: {  	s5 =	sshll.u32 s27, $0x1;
	_ =	strace $0x80000049;
	[dreg:$0x1] =	wrdreg $0xFFFFFFFF  }
0x25: {  	s28 =	simm.s32 $_size_execute0_lowered;
	s3 =	sadd.s32 s3, s5;
	[dreg:$0x0] =	wrdreg $0x0  }
0x26: {  	s5 =	sshll.u32 s28, $0x1;
	[dreg:$0x2] =	wrdreg s3  }
0x27: {  	[dreg:$0x3] =	wrdreg s5  }
0x28: {  	[dreg:$0x4] =	wrdreg $0xC0  }
0x29: {  	_ =	task [dreg:s7], $0x5FFFF  }
0x2a: {  	[dreg:$0x1] =	wrdreg $0xFFFFFFFF  }
0x2b: {  	[dreg:$0x0] =	wrdreg $0x60  }
0x2c: {  	[dreg:$0x2] =	wrdreg s25  }
0x2d: {  	[dreg:$0x3] =	wrdreg s17  }
0x2e: {  	[dreg:$0x4] =	wrdreg $0x9  }
0x2f: {  	_ =	task.clear_ibuf [dreg:s7], $0x5FFFF;
	_ =	strace $0x90000049  }
0x30: {  	s29 =	simm.s32 $0x9;
	_ =	strace $0x8000004B  }
0x31: {  	_ =	swait.ge [sflag:s29], $0x1  }
0x32: {  	[sflag:s29] =	ssyncadd.s32 $0xFFFFFFFF  }
0x33: {  	_ =	strace $0x9000004B  }
0x34: {  	_ =	sfence  }
0x35: {  	s30 =	sld [smem:$0x0];
	_ =	sdelay $0x2  }
0x36: {  	s31 =	sshll.u32 s1, $0xD;
	s1 =	sshrl.u32 s1, $0x2  }
0x37: {  	s3 =	sand.u32 $0x4000, s31;
	s1 =	sadd.s32 s1, s30  }
0x38: {  	s0 =	sor.u32 s3, s0;
	s1 =	sshll.u32 s1, $0x11  }
0x39: {  	s0 =	sor.u32 s1, s0  }
0x3a: {  	s0 =	sadd.s32 $0x8F2B, s0  }
0x3b: {  	[sflag:s0] =	ssyncadd.remote.s32 $0x1  }
0x3c: {  	_ =	sfence.sel $0xFFFF  }
0x3d: {  	[dreg:$0x0] =	wrdreg $0xFFFFFFFF;
	(pc) =	sbr.abs _section_cstart, $3  }
0x3e: {  	[dreg:$0x1] =	wrdreg $0xFFFFFFFF  }
0x3f: {  	_ =	task.clear_ibuf [dreg:s7], $0x2FFFF;
	_ =	strace $0x9FFFFFFF  }
0x40: {  	(tm) =	ssettm $0x7FFFFFFF  }
0x41: {  	_ =	shalt  }
tec
execute0_lowered:
.L_overlay_start_1:
0x0: {  	(tag) =	ssettag $0x1  }
0x1: {  	s0 =	srdreg.scid  }
0x2: {  	s1 =	sshll.u32 s0, $0x4  }
0x3: {  	s0 =	stileid.u32;
	s1 =	sand.u32 $0x10, s1  }
0x4: {  	s1 =	sor.u32 s0, s1  }
0x5: {  	s6 =	rddreg [dreg:$0x0];
	s4 =	simm.s32 $0x1;
	s2 =	sshll.u32 s1, $0x7  }
0x6: {  	s7 =	simm.s32 $0x2;
	s12 =	simm.s32 $0x0;
	s1 =	ssub.s32 $0x1000, s2  }
0x7: {  	s8 =	simm.s32 $0x8000;
	s13 =	simm.s32 $0x0;
	s3 =	sand.u32 $0xF80, s1  }
0x8: {  	s9 =	simm.s32 $0x0;
	s5 =	sshrl.u32 s1, $0xC;
	p0 =	sne.s32 s3, $0x0  }
.Ltmp0:
0x9: {  	s1 =	rddreg [dreg:$0x2];
	s4 =	simm.s32 @!p0 $0x0;
	(pc) =	sbr.rel .LBB1_1-.Ltmp0, $4  }
0xa: {  	s11 =	simm.s32 $0x0;
	s3 =	rddreg [dreg:$0x1];
	s5 =	sadd.s32 s4, s5  }
0xb: {  	_ =	strace $0x8000004A;
	s4 =	simm.s32 $0x1;
	s5 =	smul.u32 $0xC8, s5  }
0xc: {  	s6 =	sadd.s32 $0x1000, s6;
	s10 =	smov.u32 s2;
	[sflag:s4] =	ssyncpa.u1 $0x0  }
0xd: {  	p0 =	por $0x0, $0x0;
	[sflag:s7] =	ssyncpa.u1 $0x0;
	s7 =	sor.u32 $0x1, s5  }
.LBB1_4:
0xe: {  	s16 =	sshll.u32 s13, $0x3;
	s17 =	sand.u32 $0x78, s13  }
0xf: {  	s30 =	sand.u32 $0x7E00, s13;
	s12 =	sshll.u32 s12, $0xF;
	s16 =	sand.u32 $0xC00, s16  }
0x10: {  	[tilespmem:s15+$0x810 ss:$0x81] =	vst.msk $0xffff, v2;
	s31 =	sand.u32 $0x7, s13;
	s16 =	sor.u32 s17, s16;
	s17 =	sadd.s32 s3, s30  }
0x11: {  	[tilespmem:s15+$0x1020 ss:$0x81] =	vst.msk $0xffff, v0;
	s13 =	sshll.u32 s31, $0x12;
	s12 =	sadd.s32 s12, s17;
	s16 =	sshrl.u32 s16, $0x3  }
0x12: {  	[tilespmem:s15+$0x0 ss:$0x81] =	vst.msk $0xffff, v1;
	s13 =	sor.u32 $0x400, s13;
	s12 =	sadd.s32 s16, s12  }
0x13: {  	[hbm4b:s12+s13] =	stream.strided.scatter [tilespmem:s14], [sflag:$0x2], $0x2000, s8, s13, $0x20;
	[tilespmem:$0x8080] =	vst v63  }
.LBB1_5:
0x14: {  	s14 =	sadd.s32 $0x1, s9  }
0x15: {  	s12 =	sadd.s32 $0x1000, s10;
	s16 =	smov.u32 s10;
	p2 =	sgt.s32 s14, $0xC7  }
0x16: {  	s16 =	smov.u32 @p2 s12  }
0x17: {  	s14 =	simm.s32 @p2 $0x0;
	p2 =	sgt.s32 s16, $0xFFF  }
0x18: {  	s16 =	smov.u32 @p2 s2;
	p2 =	sne.s32 s11, s7  }
.Ltmp1:
0x19: {  	p1 =	slt.u32 s11, $0x2;
	(pc) =	sbr.rel @!p2 .LBB1_6-.Ltmp1, $4  }
0x1a: {  	s15 =	simm.s32 @!p1 $0x2  }
0x1b: {  	s13 =	smov.u32 s10;
	p0 =	por !p0, !p0;
	_ =	swait.ge @!p1 [sflag:s15], $0x2000  }
0x1c: {  	s12 =	smov.u32 s9;
	[sflag:s15] =	ssyncset.done @!p1 $0x0;
	s9 =	smov.u32 s14  }
0x1d: {  	s11 =	sadd.s32 $0x1, s11;
	[sflag:s15] =	ssyncadd.s32 @!p1 $0xFFFFE000;
	s10 =	smov.u32 s16  }
.LBB1_1:
0x1e: {  	p1 =	sge.u32 s11, s5  }
0x1f: {  	s14 =	sand.u32 @!p1 $0x1FFFFFF, s9  }
0x20: {  	s15 =	smulhi.u32 @!p1 $0x147AE15, s14;
	_ =	sdelay $0x1  }
0x21: {  	s15 =	smul.u32 @!p1 $0xC8, s15  }
0x22: {  	s16 =	sxor.u32 @!p1 $0xFFFFFFFF, s11;
	s17 =	smul.u32 @!p1 $0xC80, s10  }
0x23: {  	s31 =	sadd.s32 $0xFFFFFFFF, s11;
	s16 =	sshll.u32 @!p1 s16, $0xD;
	s14 =	ssub.s32 @!p1 s14, s15  }
0x24: {  	s15 =	sand.u32 @!p1 $0x2000, s16;
	s16 =	sadd.s32 @!p1 s6, s17;
	s14 =	sshll.u32 @!p1 s14, $0x4  }
0x25: {  	s17 =	simm.s32 @!p1 $0x6400;
	s14 =	sadd.s32 @!p1 s14, s16;
	s16 =	simm.s32 @!p1 $0x40  }
0x26: {  	[tilespmem:s15], [sflag:$0x1] =	stream.strided.gather @!p1 [hbm4b:s14+s16], $0x2000, s17, s16, $0x38;
	[tilespmem:$0x8080] =	vst v63  }
0x27: {  	p1 =	sge.u32 s31, s5  }
.Ltmp2:
0x28: {  	_ = 	snop;
	(pc) =	sbr.rel @p1 .LBB1_5-.Ltmp2, $1  }
0x29: {  	_ =	sdelay $0x3  }
0x2a: {  	s14 =	simm.s32 $0x1  }
0x2b: {  	_ =	swait.ge [sflag:s4], $0x2000;
	s14 =	simm.s32 @!p0 $0x0  }
0x2c: {  	[sflag:s4] =	ssyncset.done $0x0;
	s15 =	sshll.u32 s14, $0xD  }
0x2d: {  	[sflag:s4] =	ssyncadd.s32 $0xFFFFE000;
	s18 =	sor.u32 $0x20, s15  }
0x2e: {  	s14 =	smul.u32 $0x8100, s14;
	v3 =	vld [tilespmem:s18+$0x10]  }
0x2f: {  	s30 =	sand.u32 $0x1, s11;
	v2 =	vld [tilespmem:s18+$0xFFFFFFF0]  }
0x30: {  	s15 =	smul.u32 $0x8100, s30;
	s14 =	sshrl.u32 s14, $0x2;
	v0 =	vld [tilespmem:s18+$0x0]  }
0x31: {  	v1 =	vld [tilespmem:s18+$0xFFFFFFE0];
	s16 =	sor.u32 $0x4000, s14  }
0x32: {  	s31 =	sshrl.u32 s15, $0x2;
	s15 =	sadd.s32 $0x0, s16  }
0x33: {  	s17 =	simm.s32 $0x4;
	s18 =	sadd.s32 $0x40, s18;
	s14 =	sor.u32 $0x4000, s31;
	[tilespmem:s15+$0x1830 ss:$0x81] =	vst.msk $0xffff, v3  }
.LBB1_3:
0x34: {  	v3 =	vld [tilespmem:s18+$0x10];
	p1 =	sne.s32 s17, $0x1FC;
	[tilespmem:s15+$0x810 ss:$0x81] =	vst.msk $0xffff, v2;
	s19 =	smov.u32 s17;
	s17 =	sadd.s32 $0x4, s17  }
.Ltmp3:
0x35: {  	v2 =	vld [tilespmem:s18+$0xFFFFFFF0];
	[tilespmem:s15+$0x1020 ss:$0x81] =	vst.msk $0xffff, v0;
	(pc) =	sbr.rel @p1 .LBB1_3-.Ltmp3, $4  }
0x36: {  	v0 =	vld [tilespmem:s18+$0x0];
	[tilespmem:s15+$0x0 ss:$0x81] =	vst.msk $0xffff, v1  }
0x37: {  	s15 =	sshra.s32 s19, $0x2;
	v1 =	vld [tilespmem:s18+$0xFFFFFFE0]  }
0x38: {  	s15 =	sadd.s32 s15, s16  }
0x39: {  	s18 =	sadd.s32 $0x40, s18;
	[tilespmem:s15+$0x1830 ss:$0x81] =	vst.msk $0xffff, v3  }
.Ltmp4:
0x3a: {  	_ = 	snop;
	(pc) =	sbr.rel .LBB1_4-.Ltmp4, $1  }
0x3b: {  	_ =	sdelay $0x3  }
.LBB1_6:
0x3c: {  	_ =	sfence.sel $0x180000  }
0x3d: {  	s2 =	simm.s32 $0x1;
	[bflag:$0x0] =	sbarrier.arrive $0xFFFF  }
0x3e: {  	s31 =	simm.s32 $0x2;
	[sflag:s2] =	ssyncpa.u1 $0x1  }
0x3f: {  	[sflag:s31] =	ssyncpa.u1 $0x1  }
0x40: {  	p0 =	sne.s32 s0, $0x0;
	_ =	strace $0x9000004A  }
0x41: {  	s0 =	sadd.s32 @!p0 $0x100000, s1;
	[bflag:$0x2] =	sbarrier.arrive $0xFFFF  }
0x42: {  	[sflag:s0] =	ssyncadd.tile.s32 @!p0 $0x1;
	_ =	shalt  }
.Lfunc_end1:
_tile_overlayer_lowered:
.L_overlay_start_2:
0x43: {  	(tag) =	ssettag $0x2  }
0x44: {  	s0 =	rddreg [dreg:$0x0];
	s2 =	stileid.u32  }
0x45: {  	s1 =	rddreg [dreg:$0x1];
	p0 =	sne.s32 s2, $0x0  }
0x46: {  	s3 =	rddreg [dreg:$0x2];
	[bflag:$0x3] =	sbarrier.arrive $0xFFFF;
	s2 =	simm.s32 @!p0 $0x1C01  }
0x47: {  	[timem:s3], [sflag:s2] =	dma.local @!p0 [hbm:s0], s1  }
0x48: {  	s0 =	simm.s32 @!p0 $0x1  }
0x49: {  	_ =	swait.ge @!p0 [sflag:s0], s1  }
0x4a: {  	s1 =	ssub.s32 @!p0 $0x0, s1;
	[sflag:s0] =	ssyncset.done @!p0 $0x0  }
0x4b: {  	[sflag:s0] =	ssyncadd.s32 @!p0 s1  }
0x4c: {  	[bflag:$0x3] =	sbarrier.arrive $0xFFFF  }
0x4d: {  	_ =	shalt  }

</sc_bundles>
